<compile_context>
chip_gen: v7x
topology: tpu7x:2x2x1
jax: 0.10.2.dev20260603
libtpu: 0.0.44.dev20260713+nightly
codegen_flags: <defaults>
</compile_context>

<pallas_src>
import functools

import jax
import jax.numpy as jnp
import numpy as np
from jax import lax
from jax.experimental import pallas as pl
from jax.experimental.pallas import tpu as pltpu
from jax.experimental.pallas import tpu_sc as plsc

_K_NB = 16
_NUM = 1.0
_CONST = 0.1
_PAD_VAL = 1e4

_G = 3200
_GM = 32
_KPAD = _G * _GM
_NCHUNKS = 16
_CK = _KPAD // _NCHUNKS
_NW = 32
_INF = np.float32(3.0e38)


def _gm_body(q_ref, d2t_ref, gm_ref):
    q = q_ref[...]
    q2 = jnp.sum(q * q, axis=1, keepdims=True)
    acc = None
    for j in range(_NCHUNKS):
        t = d2t_ref[:, j * _CK:(j + 1) * _CK]
        c2 = jnp.sum(t * t, axis=0, keepdims=True)
        prod = jax.lax.dot_general(
            q, t, (((1,), (0,)), ((), ())),
            preferred_element_type=jnp.float32)
        d2c = jnp.maximum(q2 + c2 - 2.0 * prod, 0.0)
        m = jnp.minimum(d2c[:, :_G], d2c[:, _G:])
        acc = m if acc is None else jnp.minimum(acc, m)
    gm_ref[...] = acc


def _merge16(vv, vi, nv, ni):
    sv, si = plsc.sort_key_val(nv, ni)
    rv = lax.rev(sv, (0,))
    ri = lax.rev(si, (0,))
    take = vv <= rv
    lo_v = jnp.where(take, vv, rv)
    lo_i = jnp.where(take, vi, ri)
    ov, oi = plsc.sort_key_val(lo_v, lo_i)
    return ov, oi


def _sc_body(gm_hbm, q_hbm, d2_hbm, out_hbm, gmrow_v, qrow_v, rows_v,
             frows_v, outrow_v, sem_a, sem_b, sem_f):
    cid = lax.axis_index("c")
    sid = lax.axis_index("s")
    wid = sid * 2 + cid
    qpw = 1024 // _NW
    iota = lax.iota(jnp.int32, 16)

    def per_query(qi, _):
        q_idx = wid * qpw + qi
        pltpu.sync_copy(gm_hbm.at[q_idx], gmrow_v)
        pltpu.sync_copy(q_hbm.at[q_idx], qrow_v)
        qv = qrow_v[...]
        qd = [jnp.sum(jnp.where(iota == d, qv, 0.0)) for d in range(16)]

        def scan_body(j, carry):
            vv, vi, tau = carry
            m = gmrow_v[j]
            gids = j * 16 + iota
            mn = jnp.min(m)

            def do_merge(c):
                cvv, cvi, _ = c
                nv, ni = _merge16(cvv, cvi, m, gids)
                return nv, ni, jnp.max(nv)

            return lax.cond(mn < tau, do_merge, lambda c: c, (vv, vi, tau))

        v0 = (jnp.full((16,), _INF, jnp.float32), jnp.zeros((16,), jnp.int32),
              _INF)
        v_vals, v_ids, _ = lax.fori_loop(0, _G // 16, scan_body, v0)

        def group_body(i, carry):
            ev, ei = carry
            gid = jnp.sum(jnp.where(iota == i, v_ids, 0))
            idxa = gid + _G * iota
            idxb = idxa + _G * 16
            cpa = pltpu.async_copy(d2_hbm.at[idxa], rows_v.at[0], sem_a)
            cpb = pltpu.async_copy(d2_hbm.at[idxb], rows_v.at[1], sem_b)
            cpa.wait()
            cpb.wait()
            acc0 = jnp.zeros((16,), jnp.float32)
            acc1 = jnp.zeros((16,), jnp.float32)
            for d in range(16):
                dc = jnp.full((16,), d, jnp.int32)
                col0 = plsc.load_gather(rows_v.at[0], [iota, dc])
                col1 = plsc.load_gather(rows_v.at[1], [iota, dc])
                df0 = col0 - qd[d]
                df1 = col1 - qd[d]
                acc0 = acc0 + df0 * df0
                acc1 = acc1 + df1 * df1

            def try_merge(ev, ei, nv, ni):
                tau_e = jnp.max(ev)

                def do(c):
                    cev, cei = c
                    return _merge16(cev, cei, nv, ni)

                return lax.cond(jnp.min(nv) < tau_e, do, lambda c: c,
                                (ev, ei))

            ev, ei = try_merge(ev, ei, acc0, idxa)
            ev, ei = try_merge(ev, ei, acc1, idxb)
            return ev, ei

        e0 = (jnp.full((16,), _INF, jnp.float32), jnp.zeros((16,), jnp.int32))
        e_vals, e_ids = lax.fori_loop(0, 16, group_body, e0)

        pltpu.async_copy(d2_hbm.at[e_ids], frows_v, sem_f).wait()
        x = e_vals
        bi = lax.bitcast_convert_type(x, jnp.int32)
        y = lax.bitcast_convert_type(
            lax.shift_right_logical(bi, 1) + np.int32(0x1FBD1DF5),
            jnp.float32)
        for _u in range(3):
            y = 0.5 * (y + x / y)
        w = _NUM / (y + _CONST)
        sumw = jnp.sum(w)

        def acc_body(i, acc):
            wi = jnp.sum(jnp.where(iota == i, w, 0.0))
            ri = jnp.zeros((16,), jnp.int32) + i
            row = plsc.load_gather(frows_v, [ri, iota])
            return acc + wi * row

        accv = lax.fori_loop(0, 16, acc_body, jnp.zeros((16,), jnp.float32))
        outrow_v[...] = accv / sumw
        pltpu.sync_copy(outrow_v, out_hbm.at[q_idx])
        return 0

    lax.fori_loop(0, qpw, per_query, 0)


def kernel(data1, data2):
    q_n, dim = data1.shape
    k_n = data2.shape[0]

    d2t = jnp.transpose(data2)
    d2t = jnp.pad(d2t, ((0, 0), (0, _KPAD - k_n)), constant_values=_PAD_VAL)
    data2p = jnp.pad(data2, ((0, _KPAD - k_n), (0, 0)),
                     constant_values=_PAD_VAL)

    qb = 128
    gm = pl.pallas_call(
        _gm_body,
        grid=(q_n // qb,),
        in_specs=[
            pl.BlockSpec((qb, dim), lambda i: (i, 0)),
            pl.BlockSpec((dim, _KPAD), lambda i: (0, 0)),
        ],
        out_specs=pl.BlockSpec((qb, _G), lambda i: (i, 0)),
        out_shape=jax.ShapeDtypeStruct((q_n, _G), jnp.float32),
    )(data1, d2t)

    gm3 = gm.reshape(q_n, _G // 16, 16)

    sc = functools.partial(
        pl.kernel,
        mesh=plsc.VectorSubcoreMesh(core_axis_name="c", subcore_axis_name="s"),
        compiler_params=pltpu.CompilerParams(needs_layout_passes=False,
                                             use_tc_tiling_on_sc=False),
        out_type=jax.ShapeDtypeStruct((q_n, dim), jnp.float32),
        scratch_types=[
            pltpu.VMEM((_G // 16, 16), jnp.float32),
            pltpu.VMEM((16,), jnp.float32),
            pltpu.VMEM((2, 16, 16), jnp.float32),
            pltpu.VMEM((16, 16), jnp.float32),
            pltpu.VMEM((16,), jnp.float32),
            pltpu.SemaphoreType.DMA,
            pltpu.SemaphoreType.DMA,
            pltpu.SemaphoreType.DMA,
        ],
    )(_sc_body)

    return sc(gm3, data1, data2p)

# --- scband reference (transcript-rebuilt; emitter-appended) ---
"""Pipeline reference for scband-allocate-27676769255643 (READ-ONLY COPY).

The authoritative reference and input builder live on the scoring server;
editing this copy changes nothing except your own understanding.
"""

import jax, jax.numpy as jnp
import numpy as np

K_NEIGHBORS = 16
P = 2
NUM = 1.0
CONST = 0.1


def setup_inputs(seed: int = 0) -> dict:
    key = jax.random.key(seed)
    k1, k2 = jax.random.split(key)
    data1 = jax.random.normal(k1, (1024, 16), dtype=jnp.float32)
    data2 = jax.random.normal(k2, (100000, 16), dtype=jnp.float32)
    return {"data1": data1, "data2": data2}


def reference(data1, data2):
    # Pairwise p=2 (euclidean) distances, matching torch.dist(x, data2[j], p=2)
    # computed per query in the original loop. Vectorized via the expansion
    # ||a-b||^2 = ||a||^2 + ||b||^2 - 2 a.b
    q2 = jnp.sum(data1 * data1, axis=1, keepdims=True)          # [Q, 1]
    c2 = jnp.sum(data2 * data2, axis=1)[None, :]                 # [1, K]
    d2 = jnp.maximum(q2 + c2 - 2.0 * (data1 @ data2.T), 0.0)    # [Q, K]
    dist = jnp.sqrt(d2)
    # find_knn: keep the k smallest distances (greedy max-replacement in the
    # original is equivalent to k-smallest selection)
    neg_vals, idx = jax.lax.top_k(-dist, K_NEIGHBORS)            # [Q, k]
    dk = -neg_vals                                               # k smallest dists
    # weighted_knn with inverseweight: w = num / (dist + const)
    w = NUM / (dk + CONST)                                       # [Q, k]
    nb = data2[idx]                                              # gather [Q, k, d]
    out = jnp.sum(nb * w[..., None], axis=1) / jnp.sum(w, axis=1, keepdims=True)
    return out

if __name__ == "__main__":
    import jax
    _d = setup_inputs()
    print(jax.jit(kernel)(*tuple(_d.values())))

</pallas_src>

<mosaic_0001>
#map = affine_map<(d0, d1) -> (0, 0, 0)>
#map1 = affine_map<(d0, d1) -> (0, 0)>
module attributes {stable_mosaic.version = 14 : i64} {
  func.func @_sc_body(%arg0: i32, %arg1: i32, %arg2: memref<1024x200x16xf32, #tpu.memory_space<hbm>>, %arg3: memref<1024x16xf32, #tpu.memory_space<hbm>>, %arg4: memref<102400x16xf32, #tpu.memory_space<hbm>>, %arg5: memref<1024x16xf32, #tpu.memory_space<hbm>>, %arg6: memref<200x16xf32, #tpu.memory_space<vmem>>, %arg7: memref<16xf32, #tpu.memory_space<vmem>>, %arg8: memref<2x16x16xf32, #tpu.memory_space<vmem>>, %arg9: memref<16x16xf32, #tpu.memory_space<vmem>>, %arg10: memref<16xf32, #tpu.memory_space<vmem>>, %arg11: memref<!tpu.dma_semaphore, #tpu.memory_space<semaphore_mem>>, %arg12: memref<!tpu.dma_semaphore, #tpu.memory_space<semaphore_mem>>, %arg13: memref<!tpu.dma_semaphore, #tpu.memory_space<semaphore_mem>>) attributes {dimension_semantics = [#tpu.dimension_semantics<core_parallel>, #tpu.dimension_semantics<subcore_parallel>], iteration_bounds = array<i64: 2, 16>, scalar_prefetch = 0 : i64, scratch_operands = 8 : i64, tpu.core_type = #tpu.core_type<sc_vector_subcore>, window_params = [{transform_indices = #map}, {transform_indices = #map1}, {transform_indices = #map1}, {transform_indices = #map1}]} {
    %mul3A = arith.constant 2 : i32
    %mul3A_0 = arith.muli %arg1, %mul3A : i32
    %add3A = arith.addi %mul3A_0, %arg0 : i32
    %iota3A = tpu.iota {dimensions = array<i32: 0>} : vector<16xi32>
    %scan3A = arith.constant 0 : i32
    %scan3A_1 = arith.constant 0 : i32
    %scan3A_2 = arith.constant 32 : i32
    %scan3A_3 = arith.addi %scan3A_1, %scan3A_2 : i32
    %scan3A_4 = arith.constant 1 : i32
    %scan3A_5 = scf.for %scan3A_7 = %scan3A_1 to %scan3A_3 step %scan3A_4 iter_args(%scan3A_8 = %scan3A) -> (i32)  : i32 {
      %mul3A_9 = arith.constant 32 : i32
      %mul3A_10 = arith.muli %add3A, %mul3A_9 : i32
      %add3A_11 = arith.addi %mul3A_10, %scan3A_7 : i32
      "tpu.region"() ({
        %run_scoped3A = tpu.sem_alloc : memref<!tpu.dma_semaphore, #tpu.memory_space<semaphore_mem>>
        %dma_start3A_235 = arith.constant 0 : i32
        %dma_start3A_236 = arith.constant 0 : i32
        %dma_start3A_237 = tpu.memref_slice %arg2[%add3A_11, %dma_start3A_235, %dma_start3A_236] : memref<1024x200x16xf32, #tpu.memory_space<hbm>> -> memref<1x200x16xf32, #tpu.memory_space<hbm>>
        %dma_start3A_238 = tpu.memref_squeeze %dma_start3A_237 : memref<1x200x16xf32, #tpu.memory_space<hbm>> -> memref<200x16xf32, #tpu.memory_space<hbm>>
        %dma_start3A_239 = arith.constant 0 : i32
        %dma_start3A_240 = arith.constant 0 : i32
        %dma_start3A_241 = tpu.memref_slice %arg2[%add3A_11, %dma_start3A_239, %dma_start3A_240] : memref<1024x200x16xf32, #tpu.memory_space<hbm>> -> memref<1x200x16xf32, #tpu.memory_space<hbm>>
        %dma_start3A_242 = tpu.memref_squeeze %dma_start3A_241 : memref<1x200x16xf32, #tpu.memory_space<hbm>> -> memref<200x16xf32, #tpu.memory_space<hbm>>
        tpu.enqueue_dma source(%dma_start3A_242 : memref<200x16xf32, #tpu.memory_space<hbm>>) target(%arg6 : memref<200x16xf32, #tpu.memory_space<vmem>>) target_semaphore(%run_scoped3A : memref<!tpu.dma_semaphore, #tpu.memory_space<semaphore_mem>>)
        %dma_wait3A_243 = arith.constant 0 : i32
        %dma_wait3A_244 = arith.constant 0 : i32
        %dma_wait3A_245 = tpu.memref_slice %arg2[%add3A_11, %dma_wait3A_243, %dma_wait3A_244] : memref<1024x200x16xf32, #tpu.memory_space<hbm>> -> memref<1x200x16xf32, #tpu.memory_space<hbm>>
        %dma_wait3A_246 = tpu.memref_squeeze %dma_wait3A_245 : memref<1x200x16xf32, #tpu.memory_space<hbm>> -> memref<200x16xf32, #tpu.memory_space<hbm>>
        %dma_wait3A_247 = arith.constant 0 : i32
        %dma_wait3A_248 = arith.constant 0 : i32
        %dma_wait3A_249 = tpu.memref_slice %arg2[%add3A_11, %dma_wait3A_247, %dma_wait3A_248] : memref<1024x200x16xf32, #tpu.memory_space<hbm>> -> memref<1x200x16xf32, #tpu.memory_space<hbm>>
        %dma_wait3A_250 = tpu.memref_squeeze %dma_wait3A_249 : memref<1x200x16xf32, #tpu.memory_space<hbm>> -> memref<200x16xf32, #tpu.memory_space<hbm>>
        tpu.wait_dma2 semaphore(%run_scoped3A : memref<!tpu.dma_semaphore, #tpu.memory_space<semaphore_mem>>) src(%dma_wait3A_250 : memref<200x16xf32, #tpu.memory_space<hbm>>) dst(%arg6 : memref<200x16xf32, #tpu.memory_space<vmem>>)
        tpu.yield
      }) : () -> ()
      "tpu.region"() ({
        %run_scoped3A = tpu.sem_alloc : memref<!tpu.dma_semaphore, #tpu.memory_space<semaphore_mem>>
        %dma_start3A_235 = arith.constant 0 : i32
        %dma_start3A_236 = tpu.memref_slice %arg3[%add3A_11, %dma_start3A_235] : memref<1024x16xf32, #tpu.memory_space<hbm>> -> memref<1x16xf32, #tpu.memory_space<hbm>>
        %dma_start3A_237 = tpu.memref_squeeze %dma_start3A_236 : memref<1x16xf32, #tpu.memory_space<hbm>> -> memref<16xf32, #tpu.memory_space<hbm>>
        %dma_start3A_238 = arith.constant 0 : i32
        %dma_start3A_239 = tpu.memref_slice %arg3[%add3A_11, %dma_start3A_238] : memref<1024x16xf32, #tpu.memory_space<hbm>> -> memref<1x16xf32, #tpu.memory_space<hbm>>
        %dma_start3A_240 = tpu.memref_squeeze %dma_start3A_239 : memref<1x16xf32, #tpu.memory_space<hbm>> -> memref<16xf32, #tpu.memory_space<hbm>>
        tpu.enqueue_dma source(%dma_start3A_240 : memref<16xf32, #tpu.memory_space<hbm>>) target(%arg7 : memref<16xf32, #tpu.memory_space<vmem>>) target_semaphore(%run_scoped3A : memref<!tpu.dma_semaphore, #tpu.memory_space<semaphore_mem>>)
        %dma_wait3A_241 = arith.constant 0 : i32
        %dma_wait3A_242 = tpu.memref_slice %arg3[%add3A_11, %dma_wait3A_241] : memref<1024x16xf32, #tpu.memory_space<hbm>> -> memref<1x16xf32, #tpu.memory_space<hbm>>
        %dma_wait3A_243 = tpu.memref_squeeze %dma_wait3A_242 : memref<1x16xf32, #tpu.memory_space<hbm>> -> memref<16xf32, #tpu.memory_space<hbm>>
        %dma_wait3A_244 = arith.constant 0 : i32
        %dma_wait3A_245 = tpu.memref_slice %arg3[%add3A_11, %dma_wait3A_244] : memref<1024x16xf32, #tpu.memory_space<hbm>> -> memref<1x16xf32, #tpu.memory_space<hbm>>
        %dma_wait3A_246 = tpu.memref_squeeze %dma_wait3A_245 : memref<1x16xf32, #tpu.memory_space<hbm>> -> memref<16xf32, #tpu.memory_space<hbm>>
        tpu.wait_dma2 semaphore(%run_scoped3A : memref<!tpu.dma_semaphore, #tpu.memory_space<semaphore_mem>>) src(%dma_wait3A_246 : memref<16xf32, #tpu.memory_space<hbm>>) dst(%arg7 : memref<16xf32, #tpu.memory_space<vmem>>)
        tpu.yield
      }) : () -> ()
      %get3A = arith.constant 0 : index
      %get3A_12 = tpu.vector_load %arg7[%get3A] {strides = array<i32>} : memref<16xf32, #tpu.memory_space<vmem>>, vector<16xf32>,
      %eq3A = arith.constant 0 : i32
      %eq3A_13 = vector.broadcast %eq3A : i32 to vector<16xi32>
      %eq3A_14 = arith.cmpi eq, %iota3A, %eq3A_13 : vector<16xi32>
      %jit3A = arith.constant 0.000000e+00 : f32
      %broadcast_in_dim3A = vector.broadcast %jit3A : f32 to vector<16xf32>
      %select_n3A = arith.select %eq3A_14, %get3A_12, %broadcast_in_dim3A : vector<16xi1>, vector<16xf32>
      %reduce_sum3A = arith.constant true
      %reduce_sum3A_15 = vector.broadcast %reduce_sum3A : i1 to vector<16xi1>
      %reduce_sum3A_16 = tpu.scan <sum>, %select_n3A masked %reduce_sum3A_15 : vector<16xf32>, vector<16xi1> -> vector<16xf32>
      %reduce_sum3A_17 = vector.extract %reduce_sum3A_16[15] : f32 from vector<16xf32>
      %eq3A_18 = arith.constant 1 : i32
      %eq3A_19 = vector.broadcast %eq3A_18 : i32 to vector<16xi32>
      %eq3A_20 = arith.cmpi eq, %iota3A, %eq3A_19 : vector<16xi32>
      %jit3A_21 = arith.constant 0.000000e+00 : f32
      %broadcast_in_dim3A_22 = vector.broadcast %jit3A_21 : f32 to vector<16xf32>
      %select_n3A_23 = arith.select %eq3A_20, %get3A_12, %broadcast_in_dim3A_22 : vector<16xi1>, vector<16xf32>
      %reduce_sum3A_24 = arith.constant true
      %reduce_sum3A_25 = vector.broadcast %reduce_sum3A_24 : i1 to vector<16xi1>
      %reduce_sum3A_26 = tpu.scan <sum>, %select_n3A_23 masked %reduce_sum3A_25 : vector<16xf32>, vector<16xi1> -> vector<16xf32>
      %reduce_sum3A_27 = vector.extract %reduce_sum3A_26[15] : f32 from vector<16xf32>
      %eq3A_28 = arith.constant 2 : i32
      %eq3A_29 = vector.broadcast %eq3A_28 : i32 to vector<16xi32>
      %eq3A_30 = arith.cmpi eq, %iota3A, %eq3A_29 : vector<16xi32>
      %jit3A_31 = arith.constant 0.000000e+00 : f32
      %broadcast_in_dim3A_32 = vector.broadcast %jit3A_31 : f32 to vector<16xf32>
      %select_n3A_33 = arith.select %eq3A_30, %get3A_12, %broadcast_in_dim3A_32 : vector<16xi1>, vector<16xf32>
      %reduce_sum3A_34 = arith.constant true
      %reduce_sum3A_35 = vector.broadcast %reduce_sum3A_34 : i1 to vector<16xi1>
      %reduce_sum3A_36 = tpu.scan <sum>, %select_n3A_33 masked %reduce_sum3A_35 : vector<16xf32>, vector<16xi1> -> vector<16xf32>
      %reduce_sum3A_37 = vector.extract %reduce_sum3A_36[15] : f32 from vector<16xf32>
      %eq3A_38 = arith.constant 3 : i32
      %eq3A_39 = vector.broadcast %eq3A_38 : i32 to vector<16xi32>
      %eq3A_40 = arith.cmpi eq, %iota3A, %eq3A_39 : vector<16xi32>
      %jit3A_41 = arith.constant 0.000000e+00 : f32
      %broadcast_in_dim3A_42 = vector.broadcast %jit3A_41 : f32 to vector<16xf32>
      %select_n3A_43 = arith.select %eq3A_40, %get3A_12, %broadcast_in_dim3A_42 : vector<16xi1>, vector<16xf32>
      %reduce_sum3A_44 = arith.constant true
      %reduce_sum3A_45 = vector.broadcast %reduce_sum3A_44 : i1 to vector<16xi1>
      %reduce_sum3A_46 = tpu.scan <sum>, %select_n3A_43 masked %reduce_sum3A_45 : vector<16xf32>, vector<16xi1> -> vector<16xf32>
      %reduce_sum3A_47 = vector.extract %reduce_sum3A_46[15] : f32 from vector<16xf32>
      %eq3A_48 = arith.constant 4 : i32
      %eq3A_49 = vector.broadcast %eq3A_48 : i32 to vector<16xi32>
      %eq3A_50 = arith.cmpi eq, %iota3A, %eq3A_49 : vector<16xi32>
      %jit3A_51 = arith.constant 0.000000e+00 : f32
      %broadcast_in_dim3A_52 = vector.broadcast %jit3A_51 : f32 to vector<16xf32>
      %select_n3A_53 = arith.select %eq3A_50, %get3A_12, %broadcast_in_dim3A_52 : vector<16xi1>, vector<16xf32>
      %reduce_sum3A_54 = arith.constant true
      %reduce_sum3A_55 = vector.broadcast %reduce_sum3A_54 : i1 to vector<16xi1>
      %reduce_sum3A_56 = tpu.scan <sum>, %select_n3A_53 masked %reduce_sum3A_55 : vector<16xf32>, vector<16xi1> -> vector<16xf32>
      %reduce_sum3A_57 = vector.extract %reduce_sum3A_56[15] : f32 from vector<16xf32>
      %eq3A_58 = arith.constant 5 : i32
      %eq3A_59 = vector.broadcast %eq3A_58 : i32 to vector<16xi32>
      %eq3A_60 = arith.cmpi eq, %iota3A, %eq3A_59 : vector<16xi32>
      %jit3A_61 = arith.constant 0.000000e+00 : f32
      %broadcast_in_dim3A_62 = vector.broadcast %jit3A_61 : f32 to vector<16xf32>
      %select_n3A_63 = arith.select %eq3A_60, %get3A_12, %broadcast_in_dim3A_62 : vector<16xi1>, vector<16xf32>
      %reduce_sum3A_64 = arith.constant true
      %reduce_sum3A_65 = vector.broadcast %reduce_sum3A_64 : i1 to vector<16xi1>
      %reduce_sum3A_66 = tpu.scan <sum>, %select_n3A_63 masked %reduce_sum3A_65 : vector<16xf32>, vector<16xi1> -> vector<16xf32>
      %reduce_sum3A_67 = vector.extract %reduce_sum3A_66[15] : f32 from vector<16xf32>
      %eq3A_68 = arith.constant 6 : i32
      %eq3A_69 = vector.broadcast %eq3A_68 : i32 to vector<16xi32>
      %eq3A_70 = arith.cmpi eq, %iota3A, %eq3A_69 : vector<16xi32>
      %jit3A_71 = arith.constant 0.000000e+00 : f32
      %broadcast_in_dim3A_72 = vector.broadcast %jit3A_71 : f32 to vector<16xf32>
      %select_n3A_73 = arith.select %eq3A_70, %get3A_12, %broadcast_in_dim3A_72 : vector<16xi1>, vector<16xf32>
      %reduce_sum3A_74 = arith.constant true
      %reduce_sum3A_75 = vector.broadcast %reduce_sum3A_74 : i1 to vector<16xi1>
      %reduce_sum3A_76 = tpu.scan <sum>, %select_n3A_73 masked %reduce_sum3A_75 : vector<16xf32>, vector<16xi1> -> vector<16xf32>
      %reduce_sum3A_77 = vector.extract %reduce_sum3A_76[15] : f32 from vector<16xf32>
      %eq3A_78 = arith.constant 7 : i32
      %eq3A_79 = vector.broadcast %eq3A_78 : i32 to vector<16xi32>
      %eq3A_80 = arith.cmpi eq, %iota3A, %eq3A_79 : vector<16xi32>
      %jit3A_81 = arith.constant 0.000000e+00 : f32
      %broadcast_in_dim3A_82 = vector.broadcast %jit3A_81 : f32 to vector<16xf32>
      %select_n3A_83 = arith.select %eq3A_80, %get3A_12, %broadcast_in_dim3A_82 : vector<16xi1>, vector<16xf32>
      %reduce_sum3A_84 = arith.constant true
      %reduce_sum3A_85 = vector.broadcast %reduce_sum3A_84 : i1 to vector<16xi1>
      %reduce_sum3A_86 = tpu.scan <sum>, %select_n3A_83 masked %reduce_sum3A_85 : vector<16xf32>, vector<16xi1> -> vector<16xf32>
      %reduce_sum3A_87 = vector.extract %reduce_sum3A_86[15] : f32 from vector<16xf32>
      %eq3A_88 = arith.constant 8 : i32
      %eq3A_89 = vector.broadcast %eq3A_88 : i32 to vector<16xi32>
      %eq3A_90 = arith.cmpi eq, %iota3A, %eq3A_89 : vector<16xi32>
      %jit3A_91 = arith.constant 0.000000e+00 : f32
      %broadcast_in_dim3A_92 = vector.broadcast %jit3A_91 : f32 to vector<16xf32>
      %select_n3A_93 = arith.select %eq3A_90, %get3A_12, %broadcast_in_dim3A_92 : vector<16xi1>, vector<16xf32>
      %reduce_sum3A_94 = arith.constant true
      %reduce_sum3A_95 = vector.broadcast %reduce_sum3A_94 : i1 to vector<16xi1>
      %reduce_sum3A_96 = tpu.scan <sum>, %select_n3A_93 masked %reduce_sum3A_95 : vector<16xf32>, vector<16xi1> -> vector<16xf32>
      %reduce_sum3A_97 = vector.extract %reduce_sum3A_96[15] : f32 from vector<16xf32>
      %eq3A_98 = arith.constant 9 : i32
      %eq3A_99 = vector.broadcast %eq3A_98 : i32 to vector<16xi32>
      %eq3A_100 = arith.cmpi eq, %iota3A, %eq3A_99 : vector<16xi32>
      %jit3A_101 = arith.constant 0.000000e+00 : f32
      %broadcast_in_dim3A_102 = vector.broadcast %jit3A_101 : f32 to vector<16xf32>
      %select_n3A_103 = arith.select %eq3A_100, %get3A_12, %broadcast_in_dim3A_102 : vector<16xi1>, vector<16xf32>
      %reduce_sum3A_104 = arith.constant true
      %reduce_sum3A_105 = vector.broadcast %reduce_sum3A_104 : i1 to vector<16xi1>
      %reduce_sum3A_106 = tpu.scan <sum>, %select_n3A_103 masked %reduce_sum3A_105 : vector<16xf32>, vector<16xi1> -> vector<16xf32>
      %reduce_sum3A_107 = vector.extract %reduce_sum3A_106[15] : f32 from vector<16xf32>
      %eq3A_108 = arith.constant 10 : i32
      %eq3A_109 = vector.broadcast %eq3A_108 : i32 to vector<16xi32>
      %eq3A_110 = arith.cmpi eq, %iota3A, %eq3A_109 : vector<16xi32>
      %jit3A_111 = arith.constant 0.000000e+00 : f32
      %broadcast_in_dim3A_112 = vector.broadcast %jit3A_111 : f32 to vector<16xf32>
      %select_n3A_113 = arith.select %eq3A_110, %get3A_12, %broadcast_in_dim3A_112 : vector<16xi1>, vector<16xf32>
      %reduce_sum3A_114 = arith.constant true
      %reduce_sum3A_115 = vector.broadcast %reduce_sum3A_114 : i1 to vector<16xi1>
      %reduce_sum3A_116 = tpu.scan <sum>, %select_n3A_113 masked %reduce_sum3A_115 : vector<16xf32>, vector<16xi1> -> vector<16xf32>
      %reduce_sum3A_117 = vector.extract %reduce_sum3A_116[15] : f32 from vector<16xf32>
      %eq3A_118 = arith.constant 11 : i32
      %eq3A_119 = vector.broadcast %eq3A_118 : i32 to vector<16xi32>
      %eq3A_120 = arith.cmpi eq, %iota3A, %eq3A_119 : vector<16xi32>
      %jit3A_121 = arith.constant 0.000000e+00 : f32
      %broadcast_in_dim3A_122 = vector.broadcast %jit3A_121 : f32 to vector<16xf32>
      %select_n3A_123 = arith.select %eq3A_120, %get3A_12, %broadcast_in_dim3A_122 : vector<16xi1>, vector<16xf32>
      %reduce_sum3A_124 = arith.constant true
      %reduce_sum3A_125 = vector.broadcast %reduce_sum3A_124 : i1 to vector<16xi1>
      %reduce_sum3A_126 = tpu.scan <sum>, %select_n3A_123 masked %reduce_sum3A_125 : vector<16xf32>, vector<16xi1> -> vector<16xf32>
      %reduce_sum3A_127 = vector.extract %reduce_sum3A_126[15] : f32 from vector<16xf32>
      %eq3A_128 = arith.constant 12 : i32
      %eq3A_129 = vector.broadcast %eq3A_128 : i32 to vector<16xi32>
      %eq3A_130 = arith.cmpi eq, %iota3A, %eq3A_129 : vector<16xi32>
      %jit3A_131 = arith.constant 0.000000e+00 : f32
      %broadcast_in_dim3A_132 = vector.broadcast %jit3A_131 : f32 to vector<16xf32>
      %select_n3A_133 = arith.select %eq3A_130, %get3A_12, %broadcast_in_dim3A_132 : vector<16xi1>, vector<16xf32>
      %reduce_sum3A_134 = arith.constant true
      %reduce_sum3A_135 = vector.broadcast %reduce_sum3A_134 : i1 to vector<16xi1>
      %reduce_sum3A_136 = tpu.scan <sum>, %select_n3A_133 masked %reduce_sum3A_135 : vector<16xf32>, vector<16xi1> -> vector<16xf32>
      %reduce_sum3A_137 = vector.extract %reduce_sum3A_136[15] : f32 from vector<16xf32>
      %eq3A_138 = arith.constant 13 : i32
      %eq3A_139 = vector.broadcast %eq3A_138 : i32 to vector<16xi32>
      %eq3A_140 = arith.cmpi eq, %iota3A, %eq3A_139 : vector<16xi32>
      %jit3A_141 = arith.constant 0.000000e+00 : f32
      %broadcast_in_dim3A_142 = vector.broadcast %jit3A_141 : f32 to vector<16xf32>
      %select_n3A_143 = arith.select %eq3A_140, %get3A_12, %broadcast_in_dim3A_142 : vector<16xi1>, vector<16xf32>
      %reduce_sum3A_144 = arith.constant true
      %reduce_sum3A_145 = vector.broadcast %reduce_sum3A_144 : i1 to vector<16xi1>
      %reduce_sum3A_146 = tpu.scan <sum>, %select_n3A_143 masked %reduce_sum3A_145 : vector<16xf32>, vector<16xi1> -> vector<16xf32>
      %reduce_sum3A_147 = vector.extract %reduce_sum3A_146[15] : f32 from vector<16xf32>
      %eq3A_148 = arith.constant 14 : i32
      %eq3A_149 = vector.broadcast %eq3A_148 : i32 to vector<16xi32>
      %eq3A_150 = arith.cmpi eq, %iota3A, %eq3A_149 : vector<16xi32>
      %jit3A_151 = arith.constant 0.000000e+00 : f32
      %broadcast_in_dim3A_152 = vector.broadcast %jit3A_151 : f32 to vector<16xf32>
      %select_n3A_153 = arith.select %eq3A_150, %get3A_12, %broadcast_in_dim3A_152 : vector<16xi1>, vector<16xf32>
      %reduce_sum3A_154 = arith.constant true
      %reduce_sum3A_155 = vector.broadcast %reduce_sum3A_154 : i1 to vector<16xi1>
      %reduce_sum3A_156 = tpu.scan <sum>, %select_n3A_153 masked %reduce_sum3A_155 : vector<16xf32>, vector<16xi1> -> vector<16xf32>
      %reduce_sum3A_157 = vector.extract %reduce_sum3A_156[15] : f32 from vector<16xf32>
      %eq3A_158 = arith.constant 15 : i32
      %eq3A_159 = vector.broadcast %eq3A_158 : i32 to vector<16xi32>
      %eq3A_160 = arith.cmpi eq, %iota3A, %eq3A_159 : vector<16xi32>
      %jit3A_161 = arith.constant 0.000000e+00 : f32
      %broadcast_in_dim3A_162 = vector.broadcast %jit3A_161 : f32 to vector<16xf32>
      %select_n3A_163 = arith.select %eq3A_160, %get3A_12, %broadcast_in_dim3A_162 : vector<16xi1>, vector<16xf32>
      %reduce_sum3A_164 = arith.constant true
      %reduce_sum3A_165 = vector.broadcast %reduce_sum3A_164 : i1 to vector<16xi1>
      %reduce_sum3A_166 = tpu.scan <sum>, %select_n3A_163 masked %reduce_sum3A_165 : vector<16xf32>, vector<16xi1> -> vector<16xf32>
      %reduce_sum3A_167 = vector.extract %reduce_sum3A_166[15] : f32 from vector<16xf32>
      %broadcast_in_dim3A_168 = arith.constant 3.000000e+38 : f32
      %broadcast_in_dim3A_169 = vector.broadcast %broadcast_in_dim3A_168 : f32 to vector<16xf32>
      %broadcast_in_dim3A_170 = arith.constant 0 : i32
      %broadcast_in_dim3A_171 = vector.broadcast %broadcast_in_dim3A_170 : i32 to vector<16xi32>
      %scan3A_172 = arith.constant 3.000000e+38 : f32
      %scan3A_173 = arith.constant 0 : i32
      %scan3A_174 = arith.constant 200 : i32
      %scan3A_175 = arith.addi %scan3A_173, %scan3A_174 : i32
      %scan3A_176 = arith.constant 1 : i32
      %scan3A_177:3 = scf.for %scan3A_235 = %scan3A_173 to %scan3A_175 step %scan3A_176 iter_args(%scan3A_236 = %broadcast_in_dim3A_169, %scan3A_237 = %broadcast_in_dim3A_171, %scan3A_238 = %scan3A_172) -> (vector<16xf32>, vector<16xi32>, f32)  : i32 {
        %get3A_239 = arith.index_cast %scan3A_235 : i32 to index
        %get3A_240 = arith.constant 0 : index
        %get3A_241 = tpu.vector_load %arg6[%get3A_239, %get3A_240] {strides = array<i32>} : memref<200x16xf32, #tpu.memory_space<vmem>>, vector<16xf32>,
        %mul3A_242 = arith.constant 16 : i32
        %mul3A_243 = arith.muli %scan3A_235, %mul3A_242 : i32
        %add3A_244 = vector.broadcast %mul3A_243 : i32 to vector<16xi32>
        %add3A_245 = arith.addi %add3A_244, %iota3A : vector<16xi32>
        %reduce_min3A = arith.constant true
        %reduce_min3A_246 = vector.broadcast %reduce_min3A : i1 to vector<16xi1>
        %reduce_min3A_247 = tpu.scan <min>, %get3A_241 masked %reduce_min3A_246 : vector<16xf32>, vector<16xi1> -> vector<16xf32>
        %reduce_min3A_248 = vector.extract %reduce_min3A_247[15] : f32 from vector<16xf32>
        %lt3A = arith.cmpf olt, %reduce_min3A_248, %scan3A_238 : f32
        %convert_element_type3A = arith.extui %lt3A : i1 to i32
        %cond3A = arith.constant 0 : i32
        %cond3A_249 = arith.cmpi ne, %convert_element_type3A, %cond3A : i32
        %cond3A_250:3 = scf.if %cond3A_249 -> (vector<16xf32>, vector<16xi32>, f32) {
          %masked_sort3A = arith.constant dense<true> : vector<16xi1>
          %masked_sort3A_251, %masked_sort3A_252, %masked_sort3A_253 = tpu.sort %get3A_241, %add3A_245 masked %masked_sort3A : (vector<16xf32>, vector<16xi32>, vector<16xi1>) -> (vector<16xi1>, vector<16xf32>, vector<16xi32>)
          %rev3A = arith.constant 15 : i32
          %rev3A_254 = vector.broadcast %rev3A : i32 to vector<16xi32>
          %rev3A_255 = tpu.iota {dimensions = array<i32: 0>} : vector<16xi32>
          %rev3A_256 = arith.subi %rev3A_254, %rev3A_255 : vector<16xi32>
          %rev3A_257 = tpu.dynamic_gather %masked_sort3A_252[%rev3A_256] in [0] : vector<16xf32>, vector<16xi32> -> vector<16xf32>
          %rev3A_258 = arith.constant 15 : i32
          %rev3A_259 = vector.broadcast %rev3A_258 : i32 to vector<16xi32>
          %rev3A_260 = tpu.iota {dimensions = array<i32: 0>} : vector<16xi32>
          %rev3A_261 = arith.subi %rev3A_259, %rev3A_260 : vector<16xi32>
          %rev3A_262 = tpu.dynamic_gather %masked_sort3A_253[%rev3A_261] in [0] : vector<16xi32>, vector<16xi32> -> vector<16xi32>
          %le3A = arith.cmpf ole, %scan3A_236, %rev3A_257 : vector<16xf32>
          %select_n3A_263 = arith.select %le3A, %scan3A_236, %rev3A_257 : vector<16xi1>, vector<16xf32>
          %select_n3A_264 = arith.select %le3A, %scan3A_237, %rev3A_262 : vector<16xi1>, vector<16xi32>
          %masked_sort3A_265 = arith.constant dense<true> : vector<16xi1>
          %masked_sort3A_266, %masked_sort3A_267, %masked_sort3A_268 = tpu.sort %select_n3A_263, %select_n3A_264 masked %masked_sort3A_265 : (vector<16xf32>, vector<16xi32>, vector<16xi1>) -> (vector<16xi1>, vector<16xf32>, vector<16xi32>)
          %reduce_max3A = arith.constant true
          %reduce_max3A_269 = vector.broadcast %reduce_max3A : i1 to vector<16xi1>
          %reduce_max3A_270 = tpu.scan <max>, %masked_sort3A_267 masked %reduce_max3A_269 : vector<16xf32>, vector<16xi1> -> vector<16xf32>
          %reduce_max3A_271 = vector.extract %reduce_max3A_270[15] : f32 from vector<16xf32>
          scf.yield %masked_sort3A_267, %masked_sort3A_268, %reduce_max3A_271 : vector<16xf32>, vector<16xi32>, f32
        } else {
          scf.yield %scan3A_236, %scan3A_237, %scan3A_238 : vector<16xf32>, vector<16xi32>, f32
        }
        scf.yield %cond3A_250#0, %cond3A_250#1, %cond3A_250#2 : vector<16xf32>, vector<16xi32>, f32
      }
      %scan3A_178 = arith.constant 200 : i32
      %broadcast_in_dim3A_179 = arith.constant 3.000000e+38 : f32
      %broadcast_in_dim3A_180 = vector.broadcast %broadcast_in_dim3A_179 : f32 to vector<16xf32>
      %broadcast_in_dim3A_181 = arith.constant 0 : i32
      %broadcast_in_dim3A_182 = vector.broadcast %broadcast_in_dim3A_181 : i32 to vector<16xi32>
      %scan3A_183 = arith.constant 0 : i32
      %scan3A_184 = arith.constant 16 : i32
      %scan3A_185 = arith.addi %scan3A_183, %scan3A_184 : i32
      %scan3A_186 = arith.constant 1 : i32
      %scan3A_187:2 = scf.for %scan3A_235 = %scan3A_183 to %scan3A_185 step %scan3A_186 iter_args(%scan3A_236 = %broadcast_in_dim3A_180, %scan3A_237 = %broadcast_in_dim3A_182) -> (vector<16xf32>, vector<16xi32>)  : i32 {
        %eq3A_238 = vector.broadcast %scan3A_235 : i32 to vector<16xi32>
        %eq3A_239 = arith.cmpi eq, %iota3A, %eq3A_238 : vector<16xi32>
        %jit3A_240 = arith.constant 0 : i32
        %broadcast_in_dim3A_241 = vector.broadcast %jit3A_240 : i32 to vector<16xi32>
        %select_n3A_242 = arith.select %eq3A_239, %scan3A_177#1, %broadcast_in_dim3A_241 : vector<16xi1>, vector<16xi32>
        %reduce_sum3A_243 = arith.constant true
        %reduce_sum3A_244 = vector.broadcast %reduce_sum3A_243 : i1 to vector<16xi1>
        %reduce_sum3A_245 = tpu.scan <sum>, %select_n3A_242 masked %reduce_sum3A_244 : vector<16xi32>, vector<16xi1> -> vector<16xi32>
        %reduce_sum3A_246 = vector.extract %reduce_sum3A_245[15] : i32 from vector<16xi32>
        %mul3A_247 = arith.constant 3200 : i32
        %mul3A_248 = vector.broadcast %mul3A_247 : i32 to vector<16xi32>
        %mul3A_249 = arith.muli %mul3A_248, %iota3A : vector<16xi32>
        %add3A_250 = vector.broadcast %reduce_sum3A_246 : i32 to vector<16xi32>
        %add3A_251 = arith.addi %add3A_250, %mul3A_249 : vector<16xi32>
        %add3A_252 = arith.constant 51200 : i32
        %add3A_253 = vector.broadcast %add3A_252 : i32 to vector<16xi32>
        %add3A_254 = arith.addi %add3A_251, %add3A_253 : vector<16xi32>
        %dma_start3A_255 = arith.constant 0 : i32
        %dma_start3A_256 = arith.constant 0 : i32
        %dma_start3A_257 = arith.constant 0 : i32
        %dma_start3A_258 = tpu.memref_slice %arg8[%dma_start3A_255, %dma_start3A_256, %dma_start3A_257] : memref<2x16x16xf32, #tpu.memory_space<vmem>> -> memref<1x16x16xf32, #tpu.memory_space<vmem>>
        %dma_start3A_259 = tpu.memref_squeeze %dma_start3A_258 : memref<1x16x16xf32, #tpu.memory_space<vmem>> -> memref<16x16xf32, #tpu.memory_space<vmem>>
        %dma_start3A_260 = arith.constant 0 : i32
        %dma_start3A_261 = arith.constant 0 : i32
        %dma_start3A_262 = tpu.memref_slice %arg4[%dma_start3A_260, %dma_start3A_261] : memref<102400x16xf32, #tpu.memory_space<hbm>> -> memref<102400x16xf32, #tpu.memory_space<hbm>>
        tpu.enqueue_indirect_dma source(%dma_start3A_262 : memref<102400x16xf32, #tpu.memory_space<hbm>>) target(%dma_start3A_259 : memref<16x16xf32, #tpu.memory_space<vmem>>) offsets(%add3A_251 : vector<16xi32>) semaphore(%arg11 : memref<!tpu.dma_semaphore, #tpu.memory_space<semaphore_mem>>)
        %dma_start3A_263 = arith.constant 1 : i32
        %dma_start3A_264 = arith.constant 0 : i32
        %dma_start3A_265 = arith.constant 0 : i32
        %dma_start3A_266 = tpu.memref_slice %arg8[%dma_start3A_263, %dma_start3A_264, %dma_start3A_265] : memref<2x16x16xf32, #tpu.memory_space<vmem>> -> memref<1x16x16xf32, #tpu.memory_space<vmem>>
        %dma_start3A_267 = tpu.memref_squeeze %dma_start3A_266 : memref<1x16x16xf32, #tpu.memory_space<vmem>> -> memref<16x16xf32, #tpu.memory_space<vmem>>
        %dma_start3A_268 = arith.constant 0 : i32
        %dma_start3A_269 = arith.constant 0 : i32
        %dma_start3A_270 = tpu.memref_slice %arg4[%dma_start3A_268, %dma_start3A_269] : memref<102400x16xf32, #tpu.memory_space<hbm>> -> memref<102400x16xf32, #tpu.memory_space<hbm>>
        tpu.enqueue_indirect_dma source(%dma_start3A_270 : memref<102400x16xf32, #tpu.memory_space<hbm>>) target(%dma_start3A_267 : memref<16x16xf32, #tpu.memory_space<vmem>>) offsets(%add3A_254 : vector<16xi32>) semaphore(%arg12 : memref<!tpu.dma_semaphore, #tpu.memory_space<semaphore_mem>>)
        %dma_wait3A_271 = arith.constant 0 : i32
        %dma_wait3A_272 = arith.constant 0 : i32
        %dma_wait3A_273 = arith.constant 0 : i32
        %dma_wait3A_274 = tpu.memref_slice %arg8[%dma_wait3A_271, %dma_wait3A_272, %dma_wait3A_273] : memref<2x16x16xf32, #tpu.memory_space<vmem>> -> memref<1x16x16xf32, #tpu.memory_space<vmem>>
        %dma_wait3A_275 = tpu.memref_squeeze %dma_wait3A_274 : memref<1x16x16xf32, #tpu.memory_space<vmem>> -> memref<16x16xf32, #tpu.memory_space<vmem>>
        %dma_wait3A_276 = arith.constant 0 : i32
        %dma_wait3A_277 = arith.constant 0 : i32
        %dma_wait3A_278 = tpu.memref_slice %arg4[%dma_wait3A_276, %dma_wait3A_277] : memref<102400x16xf32, #tpu.memory_space<hbm>> -> memref<102400x16xf32, #tpu.memory_space<hbm>>
        tpu.wait_indirect_dma semaphore(%arg11 : memref<!tpu.dma_semaphore, #tpu.memory_space<semaphore_mem>>) src(%dma_wait3A_278 : memref<102400x16xf32, #tpu.memory_space<hbm>>) dst(%dma_wait3A_275 : memref<16x16xf32, #tpu.memory_space<vmem>>)
        %dma_wait3A_279 = arith.constant 1 : i32
        %dma_wait3A_280 = arith.constant 0 : i32
        %dma_wait3A_281 = arith.constant 0 : i32
        %dma_wait3A_282 = tpu.memref_slice %arg8[%dma_wait3A_279, %dma_wait3A_280, %dma_wait3A_281] : memref<2x16x16xf32, #tpu.memory_space<vmem>> -> memref<1x16x16xf32, #tpu.memory_space<vmem>>
        %dma_wait3A_283 = tpu.memref_squeeze %dma_wait3A_282 : memref<1x16x16xf32, #tpu.memory_space<vmem>> -> memref<16x16xf32, #tpu.memory_space<vmem>>
        %dma_wait3A_284 = arith.constant 0 : i32
        %dma_wait3A_285 = arith.constant 0 : i32
        %dma_wait3A_286 = tpu.memref_slice %arg4[%dma_wait3A_284, %dma_wait3A_285] : memref<102400x16xf32, #tpu.memory_space<hbm>> -> memref<102400x16xf32, #tpu.memory_space<hbm>>
        tpu.wait_indirect_dma semaphore(%arg12 : memref<!tpu.dma_semaphore, #tpu.memory_space<semaphore_mem>>) src(%dma_wait3A_286 : memref<102400x16xf32, #tpu.memory_space<hbm>>) dst(%dma_wait3A_283 : memref<16x16xf32, #tpu.memory_space<vmem>>)
        %broadcast_in_dim3A_287 = arith.constant 0.000000e+00 : f32
        %broadcast_in_dim3A_288 = vector.broadcast %broadcast_in_dim3A_287 : f32 to vector<16xf32>
        %broadcast_in_dim3A_289 = arith.constant 0.000000e+00 : f32
        %broadcast_in_dim3A_290 = vector.broadcast %broadcast_in_dim3A_289 : f32 to vector<16xf32>
        %broadcast_in_dim3A_291 = arith.constant 0 : i32
        %broadcast_in_dim3A_292 = vector.broadcast %broadcast_in_dim3A_291 : i32 to vector<16xi32>
        %gather3A = arith.constant 0 : i32
        %gather3A_293 = arith.constant 0 : i32
        %gather3A_294 = arith.constant 0 : i32
        %gather3A_295 = tpu.memref_slice %arg8[%gather3A, %gather3A_293, %gather3A_294] : memref<2x16x16xf32, #tpu.memory_space<vmem>> -> memref<1x16x16xf32, #tpu.memory_space<vmem>>
        %gather3A_296 = tpu.memref_squeeze %gather3A_295 : memref<1x16x16xf32, #tpu.memory_space<vmem>> -> memref<16x16xf32, #tpu.memory_space<vmem>>
        %gather3A_297 = tpu.vector_load_idx %gather3A_296[%iota3A, %broadcast_in_dim3A_292] : memref<16x16xf32, #tpu.memory_space<vmem>>[vector<16xi32>, vector<16xi32>], vector<16xf32>,
        %gather3A_298 = arith.constant 1 : i32
        %gather3A_299 = arith.constant 0 : i32
        %gather3A_300 = arith.constant 0 : i32
        %gather3A_301 = tpu.memref_slice %arg8[%gather3A_298, %gather3A_299, %gather3A_300] : memref<2x16x16xf32, #tpu.memory_space<vmem>> -> memref<1x16x16xf32, #tpu.memory_space<vmem>>
        %gather3A_302 = tpu.memref_squeeze %gather3A_301 : memref<1x16x16xf32, #tpu.memory_space<vmem>> -> memref<16x16xf32, #tpu.memory_space<vmem>>
        %gather3A_303 = tpu.vector_load_idx %gather3A_302[%iota3A, %broadcast_in_dim3A_292] : memref<16x16xf32, #tpu.memory_space<vmem>>[vector<16xi32>, vector<16xi32>], vector<16xf32>,
        %sub3A = vector.broadcast %reduce_sum3A_17 : f32 to vector<16xf32>
        %sub3A_304 = arith.subf %gather3A_297, %sub3A : vector<16xf32>
        %sub3A_305 = vector.broadcast %reduce_sum3A_17 : f32 to vector<16xf32>
        %sub3A_306 = arith.subf %gather3A_303, %sub3A_305 : vector<16xf32>
        %mul3A_307 = arith.mulf %sub3A_304, %sub3A_304 : vector<16xf32>
        %add3A_308 = arith.addf %broadcast_in_dim3A_288, %mul3A_307 : vector<16xf32>
        %mul3A_309 = arith.mulf %sub3A_306, %sub3A_306 : vector<16xf32>
        %add3A_310 = arith.addf %broadcast_in_dim3A_290, %mul3A_309 : vector<16xf32>
        %broadcast_in_dim3A_311 = arith.constant 1 : i32
        %broadcast_in_dim3A_312 = vector.broadcast %broadcast_in_dim3A_311 : i32 to vector<16xi32>
        %gather3A_313 = arith.constant 0 : i32
        %gather3A_314 = arith.constant 0 : i32
        %gather3A_315 = arith.constant 0 : i32
        %gather3A_316 = tpu.memref_slice %arg8[%gather3A_313, %gather3A_314, %gather3A_315] : memref<2x16x16xf32, #tpu.memory_space<vmem>> -> memref<1x16x16xf32, #tpu.memory_space<vmem>>
        %gather3A_317 = tpu.memref_squeeze %gather3A_316 : memref<1x16x16xf32, #tpu.memory_space<vmem>> -> memref<16x16xf32, #tpu.memory_space<vmem>>
        %gather3A_318 = tpu.vector_load_idx %gather3A_317[%iota3A, %broadcast_in_dim3A_312] : memref<16x16xf32, #tpu.memory_space<vmem>>[vector<16xi32>, vector<16xi32>], vector<16xf32>,
        %gather3A_319 = arith.constant 1 : i32
        %gather3A_320 = arith.constant 0 : i32
        %gather3A_321 = arith.constant 0 : i32
        %gather3A_322 = tpu.memref_slice %arg8[%gather3A_319, %gather3A_320, %gather3A_321] : memref<2x16x16xf32, #tpu.memory_space<vmem>> -> memref<1x16x16xf32, #tpu.memory_space<vmem>>
        %gather3A_323 = tpu.memref_squeeze %gather3A_322 : memref<1x16x16xf32, #tpu.memory_space<vmem>> -> memref<16x16xf32, #tpu.memory_space<vmem>>
        %gather3A_324 = tpu.vector_load_idx %gather3A_323[%iota3A, %broadcast_in_dim3A_312] : memref<16x16xf32, #tpu.memory_space<vmem>>[vector<16xi32>, vector<16xi32>], vector<16xf32>,
        %sub3A_325 = vector.broadcast %reduce_sum3A_27 : f32 to vector<16xf32>
        %sub3A_326 = arith.subf %gather3A_318, %sub3A_325 : vector<16xf32>
        %sub3A_327 = vector.broadcast %reduce_sum3A_27 : f32 to vector<16xf32>
        %sub3A_328 = arith.subf %gather3A_324, %sub3A_327 : vector<16xf32>
        %mul3A_329 = arith.mulf %sub3A_326, %sub3A_326 : vector<16xf32>
        %add3A_330 = arith.addf %add3A_308, %mul3A_329 : vector<16xf32>
        %mul3A_331 = arith.mulf %sub3A_328, %sub3A_328 : vector<16xf32>
        %add3A_332 = arith.addf %add3A_310, %mul3A_331 : vector<16xf32>
        %broadcast_in_dim3A_333 = arith.constant 2 : i32
        %broadcast_in_dim3A_334 = vector.broadcast %broadcast_in_dim3A_333 : i32 to vector<16xi32>
        %gather3A_335 = arith.constant 0 : i32
        %gather3A_336 = arith.constant 0 : i32
        %gather3A_337 = arith.constant 0 : i32
        %gather3A_338 = tpu.memref_slice %arg8[%gather3A_335, %gather3A_336, %gather3A_337] : memref<2x16x16xf32, #tpu.memory_space<vmem>> -> memref<1x16x16xf32, #tpu.memory_space<vmem>>
        %gather3A_339 = tpu.memref_squeeze %gather3A_338 : memref<1x16x16xf32, #tpu.memory_space<vmem>> -> memref<16x16xf32, #tpu.memory_space<vmem>>
        %gather3A_340 = tpu.vector_load_idx %gather3A_339[%iota3A, %broadcast_in_dim3A_334] : memref<16x16xf32, #tpu.memory_space<vmem>>[vector<16xi32>, vector<16xi32>], vector<16xf32>,
        %gather3A_341 = arith.constant 1 : i32
        %gather3A_342 = arith.constant 0 : i32
        %gather3A_343 = arith.constant 0 : i32
        %gather3A_344 = tpu.memref_slice %arg8[%gather3A_341, %gather3A_342, %gather3A_343] : memref<2x16x16xf32, #tpu.memory_space<vmem>> -> memref<1x16x16xf32, #tpu.memory_space<vmem>>
        %gather3A_345 = tpu.memref_squeeze %gather3A_344 : memref<1x16x16xf32, #tpu.memory_space<vmem>> -> memref<16x16xf32, #tpu.memory_space<vmem>>
        %gather3A_346 = tpu.vector_load_idx %gather3A_345[%iota3A, %broadcast_in_dim3A_334] : memref<16x16xf32, #tpu.memory_space<vmem>>[vector<16xi32>, vector<16xi32>], vector<16xf32>,
        %sub3A_347 = vector.broadcast %reduce_sum3A_37 : f32 to vector<16xf32>
        %sub3A_348 = arith.subf %gather3A_340, %sub3A_347 : vector<16xf32>
        %sub3A_349 = vector.broadcast %reduce_sum3A_37 : f32 to vector<16xf32>
        %sub3A_350 = arith.subf %gather3A_346, %sub3A_349 : vector<16xf32>
        %mul3A_351 = arith.mulf %sub3A_348, %sub3A_348 : vector<16xf32>
        %add3A_352 = arith.addf %add3A_330, %mul3A_351 : vector<16xf32>
        %mul3A_353 = arith.mulf %sub3A_350, %sub3A_350 : vector<16xf32>
        %add3A_354 = arith.addf %add3A_332, %mul3A_353 : vector<16xf32>
        %broadcast_in_dim3A_355 = arith.constant 3 : i32
        %broadcast_in_dim3A_356 = vector.broadcast %broadcast_in_dim3A_355 : i32 to vector<16xi32>
        %gather3A_357 = arith.constant 0 : i32
        %gather3A_358 = arith.constant 0 : i32
        %gather3A_359 = arith.constant 0 : i32
        %gather3A_360 = tpu.memref_slice %arg8[%gather3A_357, %gather3A_358, %gather3A_359] : memref<2x16x16xf32, #tpu.memory_space<vmem>> -> memref<1x16x16xf32, #tpu.memory_space<vmem>>
        %gather3A_361 = tpu.memref_squeeze %gather3A_360 : memref<1x16x16xf32, #tpu.memory_space<vmem>> -> memref<16x16xf32, #tpu.memory_space<vmem>>
        %gather3A_362 = tpu.vector_load_idx %gather3A_361[%iota3A, %broadcast_in_dim3A_356] : memref<16x16xf32, #tpu.memory_space<vmem>>[vector<16xi32>, vector<16xi32>], vector<16xf32>,
        %gather3A_363 = arith.constant 1 : i32
        %gather3A_364 = arith.constant 0 : i32
        %gather3A_365 = arith.constant 0 : i32
        %gather3A_366 = tpu.memref_slice %arg8[%gather3A_363, %gather3A_364, %gather3A_365] : memref<2x16x16xf32, #tpu.memory_space<vmem>> -> memref<1x16x16xf32, #tpu.memory_space<vmem>>
        %gather3A_367 = tpu.memref_squeeze %gather3A_366 : memref<1x16x16xf32, #tpu.memory_space<vmem>> -> memref<16x16xf32, #tpu.memory_space<vmem>>
        %gather3A_368 = tpu.vector_load_idx %gather3A_367[%iota3A, %broadcast_in_dim3A_356] : memref<16x16xf32, #tpu.memory_space<vmem>>[vector<16xi32>, vector<16xi32>], vector<16xf32>,
        %sub3A_369 = vector.broadcast %reduce_sum3A_47 : f32 to vector<16xf32>
        %sub3A_370 = arith.subf %gather3A_362, %sub3A_369 : vector<16xf32>
        %sub3A_371 = vector.broadcast %reduce_sum3A_47 : f32 to vector<16xf32>
        %sub3A_372 = arith.subf %gather3A_368, %sub3A_371 : vector<16xf32>
        %mul3A_373 = arith.mulf %sub3A_370, %sub3A_370 : vector<16xf32>
        %add3A_374 = arith.addf %add3A_352, %mul3A_373 : vector<16xf32>
        %mul3A_375 = arith.mulf %sub3A_372, %sub3A_372 : vector<16xf32>
        %add3A_376 = arith.addf %add3A_354, %mul3A_375 : vector<16xf32>
        %broadcast_in_dim3A_377 = arith.constant 4 : i32
        %broadcast_in_dim3A_378 = vector.broadcast %broadcast_in_dim3A_377 : i32 to vector<16xi32>
        %gather3A_379 = arith.constant 0 : i32
        %gather3A_380 = arith.constant 0 : i32
        %gather3A_381 = arith.constant 0 : i32
        %gather3A_382 = tpu.memref_slice %arg8[%gather3A_379, %gather3A_380, %gather3A_381] : memref<2x16x16xf32, #tpu.memory_space<vmem>> -> memref<1x16x16xf32, #tpu.memory_space<vmem>>
        %gather3A_383 = tpu.memref_squeeze %gather3A_382 : memref<1x16x16xf32, #tpu.memory_space<vmem>> -> memref<16x16xf32, #tpu.memory_space<vmem>>
        %gather3A_384 = tpu.vector_load_idx %gather3A_383[%iota3A, %broadcast_in_dim3A_378] : memref<16x16xf32, #tpu.memory_space<vmem>>[vector<16xi32>, vector<16xi32>], vector<16xf32>,
        %gather3A_385 = arith.constant 1 : i32
        %gather3A_386 = arith.constant 0 : i32
        %gather3A_387 = arith.constant 0 : i32
        %gather3A_388 = tpu.memref_slice %arg8[%gather3A_385, %gather3A_386, %gather3A_387] : memref<2x16x16xf32, #tpu.memory_space<vmem>> -> memref<1x16x16xf32, #tpu.memory_space<vmem>>
        %gather3A_389 = tpu.memref_squeeze %gather3A_388 : memref<1x16x16xf32, #tpu.memory_space<vmem>> -> memref<16x16xf32, #tpu.memory_space<vmem>>
        %gather3A_390 = tpu.vector_load_idx %gather3A_389[%iota3A, %broadcast_in_dim3A_378] : memref<16x16xf32, #tpu.memory_space<vmem>>[vector<16xi32>, vector<16xi32>], vector<16xf32>,
        %sub3A_391 = vector.broadcast %reduce_sum3A_57 : f32 to vector<16xf32>
        %sub3A_392 = arith.subf %gather3A_384, %sub3A_391 : vector<16xf32>
        %sub3A_393 = vector.broadcast %reduce_sum3A_57 : f32 to vector<16xf32>
        %sub3A_394 = arith.subf %gather3A_390, %sub3A_393 : vector<16xf32>
        %mul3A_395 = arith.mulf %sub3A_392, %sub3A_392 : vector<16xf32>
        %add3A_396 = arith.addf %add3A_374, %mul3A_395 : vector<16xf32>
        %mul3A_397 = arith.mulf %sub3A_394, %sub3A_394 : vector<16xf32>
        %add3A_398 = arith.addf %add3A_376, %mul3A_397 : vector<16xf32>
        %broadcast_in_dim3A_399 = arith.constant 5 : i32
        %broadcast_in_dim3A_400 = vector.broadcast %broadcast_in_dim3A_399 : i32 to vector<16xi32>
        %gather3A_401 = arith.constant 0 : i32
        %gather3A_402 = arith.constant 0 : i32
        %gather3A_403 = arith.constant 0 : i32
        %gather3A_404 = tpu.memref_slice %arg8[%gather3A_401, %gather3A_402, %gather3A_403] : memref<2x16x16xf32, #tpu.memory_space<vmem>> -> memref<1x16x16xf32, #tpu.memory_space<vmem>>
        %gather3A_405 = tpu.memref_squeeze %gather3A_404 : memref<1x16x16xf32, #tpu.memory_space<vmem>> -> memref<16x16xf32, #tpu.memory_space<vmem>>
        %gather3A_406 = tpu.vector_load_idx %gather3A_405[%iota3A, %broadcast_in_dim3A_400] : memref<16x16xf32, #tpu.memory_space<vmem>>[vector<16xi32>, vector<16xi32>], vector<16xf32>,
        %gather3A_407 = arith.constant 1 : i32
        %gather3A_408 = arith.constant 0 : i32
        %gather3A_409 = arith.constant 0 : i32
        %gather3A_410 = tpu.memref_slice %arg8[%gather3A_407, %gather3A_408, %gather3A_409] : memref<2x16x16xf32, #tpu.memory_space<vmem>> -> memref<1x16x16xf32, #tpu.memory_space<vmem>>
        %gather3A_411 = tpu.memref_squeeze %gather3A_410 : memref<1x16x16xf32, #tpu.memory_space<vmem>> -> memref<16x16xf32, #tpu.memory_space<vmem>>
        %gather3A_412 = tpu.vector_load_idx %gather3A_411[%iota3A, %broadcast_in_dim3A_400] : memref<16x16xf32, #tpu.memory_space<vmem>>[vector<16xi32>, vector<16xi32>], vector<16xf32>,
        %sub3A_413 = vector.broadcast %reduce_sum3A_67 : f32 to vector<16xf32>
        %sub3A_414 = arith.subf %gather3A_406, %sub3A_413 : vector<16xf32>
        %sub3A_415 = vector.broadcast %reduce_sum3A_67 : f32 to vector<16xf32>
        %sub3A_416 = arith.subf %gather3A_412, %sub3A_415 : vector<16xf32>
        %mul3A_417 = arith.mulf %sub3A_414, %sub3A_414 : vector<16xf32>
        %add3A_418 = arith.addf %add3A_396, %mul3A_417 : vector<16xf32>
        %mul3A_419 = arith.mulf %sub3A_416, %sub3A_416 : vector<16xf32>
        %add3A_420 = arith.addf %add3A_398, %mul3A_419 : vector<16xf32>
        %broadcast_in_dim3A_421 = arith.constant 6 : i32
        %broadcast_in_dim3A_422 = vector.broadcast %broadcast_in_dim3A_421 : i32 to vector<16xi32>
        %gather3A_423 = arith.constant 0 : i32
        %gather3A_424 = arith.constant 0 : i32
        %gather3A_425 = arith.constant 0 : i32
        %gather3A_426 = tpu.memref_slice %arg8[%gather3A_423, %gather3A_424, %gather3A_425] : memref<2x16x16xf32, #tpu.memory_space<vmem>> -> memref<1x16x16xf32, #tpu.memory_space<vmem>>
        %gather3A_427 = tpu.memref_squeeze %gather3A_426 : memref<1x16x16xf32, #tpu.memory_space<vmem>> -> memref<16x16xf32, #tpu.memory_space<vmem>>
        %gather3A_428 = tpu.vector_load_idx %gather3A_427[%iota3A, %broadcast_in_dim3A_422] : memref<16x16xf32, #tpu.memory_space<vmem>>[vector<16xi32>, vector<16xi32>], vector<16xf32>,
        %gather3A_429 = arith.constant 1 : i32
        %gather3A_430 = arith.constant 0 : i32
        %gather3A_431 = arith.constant 0 : i32
        %gather3A_432 = tpu.memref_slice %arg8[%gather3A_429, %gather3A_430, %gather3A_431] : memref<2x16x16xf32, #tpu.memory_space<vmem>> -> memref<1x16x16xf32, #tpu.memory_space<vmem>>
        %gather3A_433 = tpu.memref_squeeze %gather3A_432 : memref<1x16x16xf32, #tpu.memory_space<vmem>> -> memref<16x16xf32, #tpu.memory_space<vmem>>
        %gather3A_434 = tpu.vector_load_idx %gather3A_433[%iota3A, %broadcast_in_dim3A_422] : memref<16x16xf32, #tpu.memory_space<vmem>>[vector<16xi32>, vector<16xi32>], vector<16xf32>,
        %sub3A_435 = vector.broadcast %reduce_sum3A_77 : f32 to vector<16xf32>
        %sub3A_436 = arith.subf %gather3A_428, %sub3A_435 : vector<16xf32>
        %sub3A_437 = vector.broadcast %reduce_sum3A_77 : f32 to vector<16xf32>
        %sub3A_438 = arith.subf %gather3A_434, %sub3A_437 : vector<16xf32>
        %mul3A_439 = arith.mulf %sub3A_436, %sub3A_436 : vector<16xf32>
        %add3A_440 = arith.addf %add3A_418, %mul3A_439 : vector<16xf32>
        %mul3A_441 = arith.mulf %sub3A_438, %sub3A_438 : vector<16xf32>
        %add3A_442 = arith.addf %add3A_420, %mul3A_441 : vector<16xf32>
        %broadcast_in_dim3A_443 = arith.constant 7 : i32
        %broadcast_in_dim3A_444 = vector.broadcast %broadcast_in_dim3A_443 : i32 to vector<16xi32>
        %gather3A_445 = arith.constant 0 : i32
        %gather3A_446 = arith.constant 0 : i32
        %gather3A_447 = arith.constant 0 : i32
        %gather3A_448 = tpu.memref_slice %arg8[%gather3A_445, %gather3A_446, %gather3A_447] : memref<2x16x16xf32, #tpu.memory_space<vmem>> -> memref<1x16x16xf32, #tpu.memory_space<vmem>>
        %gather3A_449 = tpu.memref_squeeze %gather3A_448 : memref<1x16x16xf32, #tpu.memory_space<vmem>> -> memref<16x16xf32, #tpu.memory_space<vmem>>
        %gather3A_450 = tpu.vector_load_idx %gather3A_449[%iota3A, %broadcast_in_dim3A_444] : memref<16x16xf32, #tpu.memory_space<vmem>>[vector<16xi32>, vector<16xi32>], vector<16xf32>,
        %gather3A_451 = arith.constant 1 : i32
        %gather3A_452 = arith.constant 0 : i32
        %gather3A_453 = arith.constant 0 : i32
        %gather3A_454 = tpu.memref_slice %arg8[%gather3A_451, %gather3A_452, %gather3A_453] : memref<2x16x16xf32, #tpu.memory_space<vmem>> -> memref<1x16x16xf32, #tpu.memory_space<vmem>>
        %gather3A_455 = tpu.memref_squeeze %gather3A_454 : memref<1x16x16xf32, #tpu.memory_space<vmem>> -> memref<16x16xf32, #tpu.memory_space<vmem>>
        %gather3A_456 = tpu.vector_load_idx %gather3A_455[%iota3A, %broadcast_in_dim3A_444] : memref<16x16xf32, #tpu.memory_space<vmem>>[vector<16xi32>, vector<16xi32>], vector<16xf32>,
        %sub3A_457 = vector.broadcast %reduce_sum3A_87 : f32 to vector<16xf32>
        %sub3A_458 = arith.subf %gather3A_450, %sub3A_457 : vector<16xf32>
        %sub3A_459 = vector.broadcast %reduce_sum3A_87 : f32 to vector<16xf32>
        %sub3A_460 = arith.subf %gather3A_456, %sub3A_459 : vector<16xf32>
        %mul3A_461 = arith.mulf %sub3A_458, %sub3A_458 : vector<16xf32>
        %add3A_462 = arith.addf %add3A_440, %mul3A_461 : vector<16xf32>
        %mul3A_463 = arith.mulf %sub3A_460, %sub3A_460 : vector<16xf32>
        %add3A_464 = arith.addf %add3A_442, %mul3A_463 : vector<16xf32>
        %broadcast_in_dim3A_465 = arith.constant 8 : i32
        %broadcast_in_dim3A_466 = vector.broadcast %broadcast_in_dim3A_465 : i32 to vector<16xi32>
        %gather3A_467 = arith.constant 0 : i32
        %gather3A_468 = arith.constant 0 : i32
        %gather3A_469 = arith.constant 0 : i32
        %gather3A_470 = tpu.memref_slice %arg8[%gather3A_467, %gather3A_468, %gather3A_469] : memref<2x16x16xf32, #tpu.memory_space<vmem>> -> memref<1x16x16xf32, #tpu.memory_space<vmem>>
        %gather3A_471 = tpu.memref_squeeze %gather3A_470 : memref<1x16x16xf32, #tpu.memory_space<vmem>> -> memref<16x16xf32, #tpu.memory_space<vmem>>
        %gather3A_472 = tpu.vector_load_idx %gather3A_471[%iota3A, %broadcast_in_dim3A_466] : memref<16x16xf32, #tpu.memory_space<vmem>>[vector<16xi32>, vector<16xi32>], vector<16xf32>,
        %gather3A_473 = arith.constant 1 : i32
        %gather3A_474 = arith.constant 0 : i32
        %gather3A_475 = arith.constant 0 : i32
        %gather3A_476 = tpu.memref_slice %arg8[%gather3A_473, %gather3A_474, %gather3A_475] : memref<2x16x16xf32, #tpu.memory_space<vmem>> -> memref<1x16x16xf32, #tpu.memory_space<vmem>>
        %gather3A_477 = tpu.memref_squeeze %gather3A_476 : memref<1x16x16xf32, #tpu.memory_space<vmem>> -> memref<16x16xf32, #tpu.memory_space<vmem>>
        %gather3A_478 = tpu.vector_load_idx %gather3A_477[%iota3A, %broadcast_in_dim3A_466] : memref<16x16xf32, #tpu.memory_space<vmem>>[vector<16xi32>, vector<16xi32>], vector<16xf32>,
        %sub3A_479 = vector.broadcast %reduce_sum3A_97 : f32 to vector<16xf32>
        %sub3A_480 = arith.subf %gather3A_472, %sub3A_479 : vector<16xf32>
        %sub3A_481 = vector.broadcast %reduce_sum3A_97 : f32 to vector<16xf32>
        %sub3A_482 = arith.subf %gather3A_478, %sub3A_481 : vector<16xf32>
        %mul3A_483 = arith.mulf %sub3A_480, %sub3A_480 : vector<16xf32>
        %add3A_484 = arith.addf %add3A_462, %mul3A_483 : vector<16xf32>
        %mul3A_485 = arith.mulf %sub3A_482, %sub3A_482 : vector<16xf32>
        %add3A_486 = arith.addf %add3A_464, %mul3A_485 : vector<16xf32>
        %broadcast_in_dim3A_487 = arith.constant 9 : i32
        %broadcast_in_dim3A_488 = vector.broadcast %broadcast_in_dim3A_487 : i32 to vector<16xi32>
        %gather3A_489 = arith.constant 0 : i32
        %gather3A_490 = arith.constant 0 : i32
        %gather3A_491 = arith.constant 0 : i32
        %gather3A_492 = tpu.memref_slice %arg8[%gather3A_489, %gather3A_490, %gather3A_491] : memref<2x16x16xf32, #tpu.memory_space<vmem>> -> memref<1x16x16xf32, #tpu.memory_space<vmem>>
        %gather3A_493 = tpu.memref_squeeze %gather3A_492 : memref<1x16x16xf32, #tpu.memory_space<vmem>> -> memref<16x16xf32, #tpu.memory_space<vmem>>
        %gather3A_494 = tpu.vector_load_idx %gather3A_493[%iota3A, %broadcast_in_dim3A_488] : memref<16x16xf32, #tpu.memory_space<vmem>>[vector<16xi32>, vector<16xi32>], vector<16xf32>,
        %gather3A_495 = arith.constant 1 : i32
        %gather3A_496 = arith.constant 0 : i32
        %gather3A_497 = arith.constant 0 : i32
        %gather3A_498 = tpu.memref_slice %arg8[%gather3A_495, %gather3A_496, %gather3A_497] : memref<2x16x16xf32, #tpu.memory_space<vmem>> -> memref<1x16x16xf32, #tpu.memory_space<vmem>>
        %gather3A_499 = tpu.memref_squeeze %gather3A_498 : memref<1x16x16xf32, #tpu.memory_space<vmem>> -> memref<16x16xf32, #tpu.memory_space<vmem>>
        %gather3A_500 = tpu.vector_load_idx %gather3A_499[%iota3A, %broadcast_in_dim3A_488] : memref<16x16xf32, #tpu.memory_space<vmem>>[vector<16xi32>, vector<16xi32>], vector<16xf32>,
        %sub3A_501 = vector.broadcast %reduce_sum3A_107 : f32 to vector<16xf32>
        %sub3A_502 = arith.subf %gather3A_494, %sub3A_501 : vector<16xf32>
        %sub3A_503 = vector.broadcast %reduce_sum3A_107 : f32 to vector<16xf32>
        %sub3A_504 = arith.subf %gather3A_500, %sub3A_503 : vector<16xf32>
        %mul3A_505 = arith.mulf %sub3A_502, %sub3A_502 : vector<16xf32>
        %add3A_506 = arith.addf %add3A_484, %mul3A_505 : vector<16xf32>
        %mul3A_507 = arith.mulf %sub3A_504, %sub3A_504 : vector<16xf32>
        %add3A_508 = arith.addf %add3A_486, %mul3A_507 : vector<16xf32>
        %broadcast_in_dim3A_509 = arith.constant 10 : i32
        %broadcast_in_dim3A_510 = vector.broadcast %broadcast_in_dim3A_509 : i32 to vector<16xi32>
        %gather3A_511 = arith.constant 0 : i32
        %gather3A_512 = arith.constant 0 : i32
        %gather3A_513 = arith.constant 0 : i32
        %gather3A_514 = tpu.memref_slice %arg8[%gather3A_511, %gather3A_512, %gather3A_513] : memref<2x16x16xf32, #tpu.memory_space<vmem>> -> memref<1x16x16xf32, #tpu.memory_space<vmem>>
        %gather3A_515 = tpu.memref_squeeze %gather3A_514 : memref<1x16x16xf32, #tpu.memory_space<vmem>> -> memref<16x16xf32, #tpu.memory_space<vmem>>
        %gather3A_516 = tpu.vector_load_idx %gather3A_515[%iota3A, %broadcast_in_dim3A_510] : memref<16x16xf32, #tpu.memory_space<vmem>>[vector<16xi32>, vector<16xi32>], vector<16xf32>,
        %gather3A_517 = arith.constant 1 : i32
        %gather3A_518 = arith.constant 0 : i32
        %gather3A_519 = arith.constant 0 : i32
        %gather3A_520 = tpu.memref_slice %arg8[%gather3A_517, %gather3A_518, %gather3A_519] : memref<2x16x16xf32, #tpu.memory_space<vmem>> -> memref<1x16x16xf32, #tpu.memory_space<vmem>>
        %gather3A_521 = tpu.memref_squeeze %gather3A_520 : memref<1x16x16xf32, #tpu.memory_space<vmem>> -> memref<16x16xf32, #tpu.memory_space<vmem>>
        %gather3A_522 = tpu.vector_load_idx %gather3A_521[%iota3A, %broadcast_in_dim3A_510] : memref<16x16xf32, #tpu.memory_space<vmem>>[vector<16xi32>, vector<16xi32>], vector<16xf32>,
        %sub3A_523 = vector.broadcast %reduce_sum3A_117 : f32 to vector<16xf32>
        %sub3A_524 = arith.subf %gather3A_516, %sub3A_523 : vector<16xf32>
        %sub3A_525 = vector.broadcast %reduce_sum3A_117 : f32 to vector<16xf32>
        %sub3A_526 = arith.subf %gather3A_522, %sub3A_525 : vector<16xf32>
        %mul3A_527 = arith.mulf %sub3A_524, %sub3A_524 : vector<16xf32>
        %add3A_528 = arith.addf %add3A_506, %mul3A_527 : vector<16xf32>
        %mul3A_529 = arith.mulf %sub3A_526, %sub3A_526 : vector<16xf32>
        %add3A_530 = arith.addf %add3A_508, %mul3A_529 : vector<16xf32>
        %broadcast_in_dim3A_531 = arith.constant 11 : i32
        %broadcast_in_dim3A_532 = vector.broadcast %broadcast_in_dim3A_531 : i32 to vector<16xi32>
        %gather3A_533 = arith.constant 0 : i32
        %gather3A_534 = arith.constant 0 : i32
        %gather3A_535 = arith.constant 0 : i32
        %gather3A_536 = tpu.memref_slice %arg8[%gather3A_533, %gather3A_534, %gather3A_535] : memref<2x16x16xf32, #tpu.memory_space<vmem>> -> memref<1x16x16xf32, #tpu.memory_space<vmem>>
        %gather3A_537 = tpu.memref_squeeze %gather3A_536 : memref<1x16x16xf32, #tpu.memory_space<vmem>> -> memref<16x16xf32, #tpu.memory_space<vmem>>
        %gather3A_538 = tpu.vector_load_idx %gather3A_537[%iota3A, %broadcast_in_dim3A_532] : memref<16x16xf32, #tpu.memory_space<vmem>>[vector<16xi32>, vector<16xi32>], vector<16xf32>,
        %gather3A_539 = arith.constant 1 : i32
        %gather3A_540 = arith.constant 0 : i32
        %gather3A_541 = arith.constant 0 : i32
        %gather3A_542 = tpu.memref_slice %arg8[%gather3A_539, %gather3A_540, %gather3A_541] : memref<2x16x16xf32, #tpu.memory_space<vmem>> -> memref<1x16x16xf32, #tpu.memory_space<vmem>>
        %gather3A_543 = tpu.memref_squeeze %gather3A_542 : memref<1x16x16xf32, #tpu.memory_space<vmem>> -> memref<16x16xf32, #tpu.memory_space<vmem>>
        %gather3A_544 = tpu.vector_load_idx %gather3A_543[%iota3A, %broadcast_in_dim3A_532] : memref<16x16xf32, #tpu.memory_space<vmem>>[vector<16xi32>, vector<16xi32>], vector<16xf32>,
        %sub3A_545 = vector.broadcast %reduce_sum3A_127 : f32 to vector<16xf32>
        %sub3A_546 = arith.subf %gather3A_538, %sub3A_545 : vector<16xf32>
        %sub3A_547 = vector.broadcast %reduce_sum3A_127 : f32 to vector<16xf32>
        %sub3A_548 = arith.subf %gather3A_544, %sub3A_547 : vector<16xf32>
        %mul3A_549 = arith.mulf %sub3A_546, %sub3A_546 : vector<16xf32>
        %add3A_550 = arith.addf %add3A_528, %mul3A_549 : vector<16xf32>
        %mul3A_551 = arith.mulf %sub3A_548, %sub3A_548 : vector<16xf32>
        %add3A_552 = arith.addf %add3A_530, %mul3A_551 : vector<16xf32>
        %broadcast_in_dim3A_553 = arith.constant 12 : i32
        %broadcast_in_dim3A_554 = vector.broadcast %broadcast_in_dim3A_553 : i32 to vector<16xi32>
        %gather3A_555 = arith.constant 0 : i32
        %gather3A_556 = arith.constant 0 : i32
        %gather3A_557 = arith.constant 0 : i32
        %gather3A_558 = tpu.memref_slice %arg8[%gather3A_555, %gather3A_556, %gather3A_557] : memref<2x16x16xf32, #tpu.memory_space<vmem>> -> memref<1x16x16xf32, #tpu.memory_space<vmem>>
        %gather3A_559 = tpu.memref_squeeze %gather3A_558 : memref<1x16x16xf32, #tpu.memory_space<vmem>> -> memref<16x16xf32, #tpu.memory_space<vmem>>
        %gather3A_560 = tpu.vector_load_idx %gather3A_559[%iota3A, %broadcast_in_dim3A_554] : memref<16x16xf32, #tpu.memory_space<vmem>>[vector<16xi32>, vector<16xi32>], vector<16xf32>,
        %gather3A_561 = arith.constant 1 : i32
        %gather3A_562 = arith.constant 0 : i32
        %gather3A_563 = arith.constant 0 : i32
        %gather3A_564 = tpu.memref_slice %arg8[%gather3A_561, %gather3A_562, %gather3A_563] : memref<2x16x16xf32, #tpu.memory_space<vmem>> -> memref<1x16x16xf32, #tpu.memory_space<vmem>>
        %gather3A_565 = tpu.memref_squeeze %gather3A_564 : memref<1x16x16xf32, #tpu.memory_space<vmem>> -> memref<16x16xf32, #tpu.memory_space<vmem>>
        %gather3A_566 = tpu.vector_load_idx %gather3A_565[%iota3A, %broadcast_in_dim3A_554] : memref<16x16xf32, #tpu.memory_space<vmem>>[vector<16xi32>, vector<16xi32>], vector<16xf32>,
        %sub3A_567 = vector.broadcast %reduce_sum3A_137 : f32 to vector<16xf32>
        %sub3A_568 = arith.subf %gather3A_560, %sub3A_567 : vector<16xf32>
        %sub3A_569 = vector.broadcast %reduce_sum3A_137 : f32 to vector<16xf32>
        %sub3A_570 = arith.subf %gather3A_566, %sub3A_569 : vector<16xf32>
        %mul3A_571 = arith.mulf %sub3A_568, %sub3A_568 : vector<16xf32>
        %add3A_572 = arith.addf %add3A_550, %mul3A_571 : vector<16xf32>
        %mul3A_573 = arith.mulf %sub3A_570, %sub3A_570 : vector<16xf32>
        %add3A_574 = arith.addf %add3A_552, %mul3A_573 : vector<16xf32>
        %broadcast_in_dim3A_575 = arith.constant 13 : i32
        %broadcast_in_dim3A_576 = vector.broadcast %broadcast_in_dim3A_575 : i32 to vector<16xi32>
        %gather3A_577 = arith.constant 0 : i32
        %gather3A_578 = arith.constant 0 : i32
        %gather3A_579 = arith.constant 0 : i32
        %gather3A_580 = tpu.memref_slice %arg8[%gather3A_577, %gather3A_578, %gather3A_579] : memref<2x16x16xf32, #tpu.memory_space<vmem>> -> memref<1x16x16xf32, #tpu.memory_space<vmem>>
        %gather3A_581 = tpu.memref_squeeze %gather3A_580 : memref<1x16x16xf32, #tpu.memory_space<vmem>> -> memref<16x16xf32, #tpu.memory_space<vmem>>
        %gather3A_582 = tpu.vector_load_idx %gather3A_581[%iota3A, %broadcast_in_dim3A_576] : memref<16x16xf32, #tpu.memory_space<vmem>>[vector<16xi32>, vector<16xi32>], vector<16xf32>,
        %gather3A_583 = arith.constant 1 : i32
        %gather3A_584 = arith.constant 0 : i32
        %gather3A_585 = arith.constant 0 : i32
        %gather3A_586 = tpu.memref_slice %arg8[%gather3A_583, %gather3A_584, %gather3A_585] : memref<2x16x16xf32, #tpu.memory_space<vmem>> -> memref<1x16x16xf32, #tpu.memory_space<vmem>>
        %gather3A_587 = tpu.memref_squeeze %gather3A_586 : memref<1x16x16xf32, #tpu.memory_space<vmem>> -> memref<16x16xf32, #tpu.memory_space<vmem>>
        %gather3A_588 = tpu.vector_load_idx %gather3A_587[%iota3A, %broadcast_in_dim3A_576] : memref<16x16xf32, #tpu.memory_space<vmem>>[vector<16xi32>, vector<16xi32>], vector<16xf32>,
        %sub3A_589 = vector.broadcast %reduce_sum3A_147 : f32 to vector<16xf32>
        %sub3A_590 = arith.subf %gather3A_582, %sub3A_589 : vector<16xf32>
        %sub3A_591 = vector.broadcast %reduce_sum3A_147 : f32 to vector<16xf32>
        %sub3A_592 = arith.subf %gather3A_588, %sub3A_591 : vector<16xf32>
        %mul3A_593 = arith.mulf %sub3A_590, %sub3A_590 : vector<16xf32>
        %add3A_594 = arith.addf %add3A_572, %mul3A_593 : vector<16xf32>
        %mul3A_595 = arith.mulf %sub3A_592, %sub3A_592 : vector<16xf32>
        %add3A_596 = arith.addf %add3A_574, %mul3A_595 : vector<16xf32>
        %broadcast_in_dim3A_597 = arith.constant 14 : i32
        %broadcast_in_dim3A_598 = vector.broadcast %broadcast_in_dim3A_597 : i32 to vector<16xi32>
        %gather3A_599 = arith.constant 0 : i32
        %gather3A_600 = arith.constant 0 : i32
        %gather3A_601 = arith.constant 0 : i32
        %gather3A_602 = tpu.memref_slice %arg8[%gather3A_599, %gather3A_600, %gather3A_601] : memref<2x16x16xf32, #tpu.memory_space<vmem>> -> memref<1x16x16xf32, #tpu.memory_space<vmem>>
        %gather3A_603 = tpu.memref_squeeze %gather3A_602 : memref<1x16x16xf32, #tpu.memory_space<vmem>> -> memref<16x16xf32, #tpu.memory_space<vmem>>
        %gather3A_604 = tpu.vector_load_idx %gather3A_603[%iota3A, %broadcast_in_dim3A_598] : memref<16x16xf32, #tpu.memory_space<vmem>>[vector<16xi32>, vector<16xi32>], vector<16xf32>,
        %gather3A_605 = arith.constant 1 : i32
        %gather3A_606 = arith.constant 0 : i32
        %gather3A_607 = arith.constant 0 : i32
        %gather3A_608 = tpu.memref_slice %arg8[%gather3A_605, %gather3A_606, %gather3A_607] : memref<2x16x16xf32, #tpu.memory_space<vmem>> -> memref<1x16x16xf32, #tpu.memory_space<vmem>>
        %gather3A_609 = tpu.memref_squeeze %gather3A_608 : memref<1x16x16xf32, #tpu.memory_space<vmem>> -> memref<16x16xf32, #tpu.memory_space<vmem>>
        %gather3A_610 = tpu.vector_load_idx %gather3A_609[%iota3A, %broadcast_in_dim3A_598] : memref<16x16xf32, #tpu.memory_space<vmem>>[vector<16xi32>, vector<16xi32>], vector<16xf32>,
        %sub3A_611 = vector.broadcast %reduce_sum3A_157 : f32 to vector<16xf32>
        %sub3A_612 = arith.subf %gather3A_604, %sub3A_611 : vector<16xf32>
        %sub3A_613 = vector.broadcast %reduce_sum3A_157 : f32 to vector<16xf32>
        %sub3A_614 = arith.subf %gather3A_610, %sub3A_613 : vector<16xf32>
        %mul3A_615 = arith.mulf %sub3A_612, %sub3A_612 : vector<16xf32>
        %add3A_616 = arith.addf %add3A_594, %mul3A_615 : vector<16xf32>
        %mul3A_617 = arith.mulf %sub3A_614, %sub3A_614 : vector<16xf32>
        %add3A_618 = arith.addf %add3A_596, %mul3A_617 : vector<16xf32>
        %broadcast_in_dim3A_619 = arith.constant 15 : i32
        %broadcast_in_dim3A_620 = vector.broadcast %broadcast_in_dim3A_619 : i32 to vector<16xi32>
        %gather3A_621 = arith.constant 0 : i32
        %gather3A_622 = arith.constant 0 : i32
        %gather3A_623 = arith.constant 0 : i32
        %gather3A_624 = tpu.memref_slice %arg8[%gather3A_621, %gather3A_622, %gather3A_623] : memref<2x16x16xf32, #tpu.memory_space<vmem>> -> memref<1x16x16xf32, #tpu.memory_space<vmem>>
        %gather3A_625 = tpu.memref_squeeze %gather3A_624 : memref<1x16x16xf32, #tpu.memory_space<vmem>> -> memref<16x16xf32, #tpu.memory_space<vmem>>
        %gather3A_626 = tpu.vector_load_idx %gather3A_625[%iota3A, %broadcast_in_dim3A_620] : memref<16x16xf32, #tpu.memory_space<vmem>>[vector<16xi32>, vector<16xi32>], vector<16xf32>,
        %gather3A_627 = arith.constant 1 : i32
        %gather3A_628 = arith.constant 0 : i32
        %gather3A_629 = arith.constant 0 : i32
        %gather3A_630 = tpu.memref_slice %arg8[%gather3A_627, %gather3A_628, %gather3A_629] : memref<2x16x16xf32, #tpu.memory_space<vmem>> -> memref<1x16x16xf32, #tpu.memory_space<vmem>>
        %gather3A_631 = tpu.memref_squeeze %gather3A_630 : memref<1x16x16xf32, #tpu.memory_space<vmem>> -> memref<16x16xf32, #tpu.memory_space<vmem>>
        %gather3A_632 = tpu.vector_load_idx %gather3A_631[%iota3A, %broadcast_in_dim3A_620] : memref<16x16xf32, #tpu.memory_space<vmem>>[vector<16xi32>, vector<16xi32>], vector<16xf32>,
        %sub3A_633 = vector.broadcast %reduce_sum3A_167 : f32 to vector<16xf32>
        %sub3A_634 = arith.subf %gather3A_626, %sub3A_633 : vector<16xf32>
        %sub3A_635 = vector.broadcast %reduce_sum3A_167 : f32 to vector<16xf32>
        %sub3A_636 = arith.subf %gather3A_632, %sub3A_635 : vector<16xf32>
        %mul3A_637 = arith.mulf %sub3A_634, %sub3A_634 : vector<16xf32>
        %add3A_638 = arith.addf %add3A_616, %mul3A_637 : vector<16xf32>
        %mul3A_639 = arith.mulf %sub3A_636, %sub3A_636 : vector<16xf32>
        %add3A_640 = arith.addf %add3A_618, %mul3A_639 : vector<16xf32>
        %reduce_max3A = arith.constant true
        %reduce_max3A_641 = vector.broadcast %reduce_max3A : i1 to vector<16xi1>
        %reduce_max3A_642 = tpu.scan <max>, %scan3A_236 masked %reduce_max3A_641 : vector<16xf32>, vector<16xi1> -> vector<16xf32>
        %reduce_max3A_643 = vector.extract %reduce_max3A_642[15] : f32 from vector<16xf32>
        %reduce_min3A = arith.constant true
        %reduce_min3A_644 = vector.broadcast %reduce_min3A : i1 to vector<16xi1>
        %reduce_min3A_645 = tpu.scan <min>, %add3A_638 masked %reduce_min3A_644 : vector<16xf32>, vector<16xi1> -> vector<16xf32>
        %reduce_min3A_646 = vector.extract %reduce_min3A_645[15] : f32 from vector<16xf32>
        %lt3A = arith.cmpf olt, %reduce_min3A_646, %reduce_max3A_643 : f32
        %convert_element_type3A = arith.extui %lt3A : i1 to i32
        %cond3A = arith.constant 0 : i32
        %cond3A_647 = arith.cmpi ne, %convert_element_type3A, %cond3A : i32
        %cond3A_648:2 = scf.if %cond3A_647 -> (vector<16xf32>, vector<16xi32>) {
          %masked_sort3A = arith.constant dense<true> : vector<16xi1>
          %masked_sort3A_662, %masked_sort3A_663, %masked_sort3A_664 = tpu.sort %add3A_638, %add3A_251 masked %masked_sort3A : (vector<16xf32>, vector<16xi32>, vector<16xi1>) -> (vector<16xi1>, vector<16xf32>, vector<16xi32>)
          %rev3A = arith.constant 15 : i32
          %rev3A_665 = vector.broadcast %rev3A : i32 to vector<16xi32>
          %rev3A_666 = tpu.iota {dimensions = array<i32: 0>} : vector<16xi32>
          %rev3A_667 = arith.subi %rev3A_665, %rev3A_666 : vector<16xi32>
          %rev3A_668 = tpu.dynamic_gather %masked_sort3A_663[%rev3A_667] in [0] : vector<16xf32>, vector<16xi32> -> vector<16xf32>
          %rev3A_669 = arith.constant 15 : i32
          %rev3A_670 = vector.broadcast %rev3A_669 : i32 to vector<16xi32>
          %rev3A_671 = tpu.iota {dimensions = array<i32: 0>} : vector<16xi32>
          %rev3A_672 = arith.subi %rev3A_670, %rev3A_671 : vector<16xi32>
          %rev3A_673 = tpu.dynamic_gather %masked_sort3A_664[%rev3A_672] in [0] : vector<16xi32>, vector<16xi32> -> vector<16xi32>
          %le3A = arith.cmpf ole, %scan3A_236, %rev3A_668 : vector<16xf32>
          %select_n3A_674 = arith.select %le3A, %scan3A_236, %rev3A_668 : vector<16xi1>, vector<16xf32>
          %select_n3A_675 = arith.select %le3A, %scan3A_237, %rev3A_673 : vector<16xi1>, vector<16xi32>
          %masked_sort3A_676 = arith.constant dense<true> : vector<16xi1>
          %masked_sort3A_677, %masked_sort3A_678, %masked_sort3A_679 = tpu.sort %select_n3A_674, %select_n3A_675 masked %masked_sort3A_676 : (vector<16xf32>, vector<16xi32>, vector<16xi1>) -> (vector<16xi1>, vector<16xf32>, vector<16xi32>)
          scf.yield %masked_sort3A_678, %masked_sort3A_679 : vector<16xf32>, vector<16xi32>
        } else {
          scf.yield %scan3A_236, %scan3A_237 : vector<16xf32>, vector<16xi32>
        }
        %reduce_max3A_649 = arith.constant true
        %reduce_max3A_650 = vector.broadcast %reduce_max3A_649 : i1 to vector<16xi1>
        %reduce_max3A_651 = tpu.scan <max>, %cond3A_648#0 masked %reduce_max3A_650 : vector<16xf32>, vector<16xi1> -> vector<16xf32>
        %reduce_max3A_652 = vector.extract %reduce_max3A_651[15] : f32 from vector<16xf32>
        %reduce_min3A_653 = arith.constant true
        %reduce_min3A_654 = vector.broadcast %reduce_min3A_653 : i1 to vector<16xi1>
        %reduce_min3A_655 = tpu.scan <min>, %add3A_640 masked %reduce_min3A_654 : vector<16xf32>, vector<16xi1> -> vector<16xf32>
        %reduce_min3A_656 = vector.extract %reduce_min3A_655[15] : f32 from vector<16xf32>
        %lt3A_657 = arith.cmpf olt, %reduce_min3A_656, %reduce_max3A_652 : f32
        %convert_element_type3A_658 = arith.extui %lt3A_657 : i1 to i32
        %cond3A_659 = arith.constant 0 : i32
        %cond3A_660 = arith.cmpi ne, %convert_element_type3A_658, %cond3A_659 : i32
        %cond3A_661:2 = scf.if %cond3A_660 -> (vector<16xf32>, vector<16xi32>) {
          %masked_sort3A = arith.constant dense<true> : vector<16xi1>
          %masked_sort3A_662, %masked_sort3A_663, %masked_sort3A_664 = tpu.sort %add3A_640, %add3A_254 masked %masked_sort3A : (vector<16xf32>, vector<16xi32>, vector<16xi1>) -> (vector<16xi1>, vector<16xf32>, vector<16xi32>)
          %rev3A = arith.constant 15 : i32
          %rev3A_665 = vector.broadcast %rev3A : i32 to vector<16xi32>
          %rev3A_666 = tpu.iota {dimensions = array<i32: 0>} : vector<16xi32>
          %rev3A_667 = arith.subi %rev3A_665, %rev3A_666 : vector<16xi32>
          %rev3A_668 = tpu.dynamic_gather %masked_sort3A_663[%rev3A_667] in [0] : vector<16xf32>, vector<16xi32> -> vector<16xf32>
          %rev3A_669 = arith.constant 15 : i32
          %rev3A_670 = vector.broadcast %rev3A_669 : i32 to vector<16xi32>
          %rev3A_671 = tpu.iota {dimensions = array<i32: 0>} : vector<16xi32>
          %rev3A_672 = arith.subi %rev3A_670, %rev3A_671 : vector<16xi32>
          %rev3A_673 = tpu.dynamic_gather %masked_sort3A_664[%rev3A_672] in [0] : vector<16xi32>, vector<16xi32> -> vector<16xi32>
          %le3A = arith.cmpf ole, %cond3A_648#0, %rev3A_668 : vector<16xf32>
          %select_n3A_674 = arith.select %le3A, %cond3A_648#0, %rev3A_668 : vector<16xi1>, vector<16xf32>
          %select_n3A_675 = arith.select %le3A, %cond3A_648#1, %rev3A_673 : vector<16xi1>, vector<16xi32>
          %masked_sort3A_676 = arith.constant dense<true> : vector<16xi1>
          %masked_sort3A_677, %masked_sort3A_678, %masked_sort3A_679 = tpu.sort %select_n3A_674, %select_n3A_675 masked %masked_sort3A_676 : (vector<16xf32>, vector<16xi32>, vector<16xi1>) -> (vector<16xi1>, vector<16xf32>, vector<16xi32>)
          scf.yield %masked_sort3A_678, %masked_sort3A_679 : vector<16xf32>, vector<16xi32>
        } else {
          scf.yield %cond3A_648#0, %cond3A_648#1 : vector<16xf32>, vector<16xi32>
        }
        scf.yield %cond3A_661#0, %cond3A_661#1 : vector<16xf32>, vector<16xi32>
      }
      %scan3A_188 = arith.constant 16 : i32
      %dma_start3A = arith.constant 0 : i32
      %dma_start3A_189 = arith.constant 0 : i32
      %dma_start3A_190 = tpu.memref_slice %arg4[%dma_start3A, %dma_start3A_189] : memref<102400x16xf32, #tpu.memory_space<hbm>> -> memref<102400x16xf32, #tpu.memory_space<hbm>>
      tpu.enqueue_indirect_dma source(%dma_start3A_190 : memref<102400x16xf32, #tpu.memory_space<hbm>>) target(%arg9 : memref<16x16xf32, #tpu.memory_space<vmem>>) offsets(%scan3A_187#1 : vector<16xi32>) semaphore(%arg13 : memref<!tpu.dma_semaphore, #tpu.memory_space<semaphore_mem>>)
      %dma_wait3A = arith.constant 0 : i32
      %dma_wait3A_191 = arith.constant 0 : i32
      %dma_wait3A_192 = tpu.memref_slice %arg4[%dma_wait3A, %dma_wait3A_191] : memref<102400x16xf32, #tpu.memory_space<hbm>> -> memref<102400x16xf32, #tpu.memory_space<hbm>>
      tpu.wait_indirect_dma semaphore(%arg13 : memref<!tpu.dma_semaphore, #tpu.memory_space<semaphore_mem>>) src(%dma_wait3A_192 : memref<102400x16xf32, #tpu.memory_space<hbm>>) dst(%arg9 : memref<16x16xf32, #tpu.memory_space<vmem>>)
      %bitcast_convert_type3A = tpu.bitcast %scan3A_187#0 : vector<16xf32> -> vector<16xi32>
      %shift_right_logical3A = arith.constant 1 : i32
      %shift_right_logical3A_193 = vector.broadcast %shift_right_logical3A : i32 to vector<16xi32>
      %shift_right_logical3A_194 = arith.shrui %bitcast_convert_type3A, %shift_right_logical3A_193 : vector<16xi32>
      %add3A_195 = arith.constant 532487669 : i32
      %add3A_196 = vector.broadcast %add3A_195 : i32 to vector<16xi32>
      %add3A_197 = arith.addi %shift_right_logical3A_194, %add3A_196 : vector<16xi32>
      %bitcast_convert_type3A_198 = tpu.bitcast %add3A_197 : vector<16xi32> -> vector<16xf32>
      %div3A = arith.divf %scan3A_187#0, %bitcast_convert_type3A_198 : vector<16xf32>
      %add3A_199 = arith.addf %bitcast_convert_type3A_198, %div3A : vector<16xf32>
      %mul3A_200 = arith.constant 5.000000e-01 : f32
      %mul3A_201 = vector.broadcast %mul3A_200 : f32 to vector<16xf32>
      %mul3A_202 = arith.mulf %mul3A_201, %add3A_199 : vector<16xf32>
      %div3A_203 = arith.divf %scan3A_187#0, %mul3A_202 : vector<16xf32>
      %add3A_204 = arith.addf %mul3A_202, %div3A_203 : vector<16xf32>
      %mul3A_205 = arith.constant 5.000000e-01 : f32
      %mul3A_206 = vector.broadcast %mul3A_205 : f32 to vector<16xf32>
      %mul3A_207 = arith.mulf %mul3A_206, %add3A_204 : vector<16xf32>
      %div3A_208 = arith.divf %scan3A_187#0, %mul3A_207 : vector<16xf32>
      %add3A_209 = arith.addf %mul3A_207, %div3A_208 : vector<16xf32>
      %mul3A_210 = arith.constant 5.000000e-01 : f32
      %mul3A_211 = vector.broadcast %mul3A_210 : f32 to vector<16xf32>
      %mul3A_212 = arith.mulf %mul3A_211, %add3A_209 : vector<16xf32>
      %add3A_213 = arith.constant 1.000000e-01 : f32
      %add3A_214 = vector.broadcast %add3A_213 : f32 to vector<16xf32>
      %add3A_215 = arith.addf %mul3A_212, %add3A_214 : vector<16xf32>
      %div3A_216 = arith.constant 1.000000e+00 : f32
      %div3A_217 = vector.broadcast %div3A_216 : f32 to vector<16xf32>
      %div3A_218 = arith.divf %div3A_217, %add3A_215 : vector<16xf32>
      %reduce_sum3A_219 = arith.constant true
      %reduce_sum3A_220 = vector.broadcast %reduce_sum3A_219 : i1 to vector<16xi1>
      %reduce_sum3A_221 = tpu.scan <sum>, %div3A_218 masked %reduce_sum3A_220 : vector<16xf32>, vector<16xi1> -> vector<16xf32>
      %reduce_sum3A_222 = vector.extract %reduce_sum3A_221[15] : f32 from vector<16xf32>
      %broadcast_in_dim3A_223 = arith.constant 0.000000e+00 : f32
      %broadcast_in_dim3A_224 = vector.broadcast %broadcast_in_dim3A_223 : f32 to vector<16xf32>
      %scan3A_225 = arith.constant 0 : i32
      %scan3A_226 = arith.constant 16 : i32
      %scan3A_227 = arith.addi %scan3A_225, %scan3A_226 : i32
      %scan3A_228 = arith.constant 1 : i32
      %scan3A_229 = scf.for %scan3A_235 = %scan3A_225 to %scan3A_227 step %scan3A_228 iter_args(%scan3A_236 = %broadcast_in_dim3A_224) -> (vector<16xf32>)  : i32 {
        %eq3A_237 = vector.broadcast %scan3A_235 : i32 to vector<16xi32>
        %eq3A_238 = arith.cmpi eq, %iota3A, %eq3A_237 : vector<16xi32>
        %jit3A_239 = arith.constant 0.000000e+00 : f32
        %broadcast_in_dim3A_240 = vector.broadcast %jit3A_239 : f32 to vector<16xf32>
        %select_n3A_241 = arith.select %eq3A_238, %div3A_218, %broadcast_in_dim3A_240 : vector<16xi1>, vector<16xf32>
        %reduce_sum3A_242 = arith.constant true
        %reduce_sum3A_243 = vector.broadcast %reduce_sum3A_242 : i1 to vector<16xi1>
        %reduce_sum3A_244 = tpu.scan <sum>, %select_n3A_241 masked %reduce_sum3A_243 : vector<16xf32>, vector<16xi1> -> vector<16xf32>
        %reduce_sum3A_245 = vector.extract %reduce_sum3A_244[15] : f32 from vector<16xf32>
        %broadcast_in_dim3A_246 = arith.constant 0 : i32
        %broadcast_in_dim3A_247 = vector.broadcast %broadcast_in_dim3A_246 : i32 to vector<16xi32>
        %add3A_248 = vector.broadcast %scan3A_235 : i32 to vector<16xi32>
        %add3A_249 = arith.addi %broadcast_in_dim3A_247, %add3A_248 : vector<16xi32>
        %gather3A = tpu.vector_load_idx %arg9[%add3A_249, %iota3A] : memref<16x16xf32, #tpu.memory_space<vmem>>[vector<16xi32>, vector<16xi32>], vector<16xf32>,
        %mul3A_250 = vector.broadcast %reduce_sum3A_245 : f32 to vector<16xf32>
        %mul3A_251 = arith.mulf %mul3A_250, %gather3A : vector<16xf32>
        %add3A_252 = arith.addf %scan3A_236, %mul3A_251 : vector<16xf32>
        scf.yield %add3A_252 : vector<16xf32>
      }
      %scan3A_230 = arith.constant 16 : i32
      %div3A_231 = vector.broadcast %reduce_sum3A_222 : f32 to vector<16xf32>
      %div3A_232 = arith.divf %scan3A_229, %div3A_231 : vector<16xf32>
      %swap3A = arith.constant 0 : index
      %swap3A_233 = tpu.vector_load %arg10[%swap3A] {strides = array<i32>} : memref<16xf32, #tpu.memory_space<vmem>>, vector<16xf32>,
      tpu.vector_store %arg10[%swap3A], %div3A_232 {strides = array<i32>} : memref<16xf32, #tpu.memory_space<vmem>>, vector<16xf32>,
      "tpu.region"() ({
        %run_scoped3A = tpu.sem_alloc : memref<!tpu.dma_semaphore, #tpu.memory_space<semaphore_mem>>
        %dma_start3A_235 = arith.constant 0 : i32
        %dma_start3A_236 = tpu.memref_slice %arg5[%add3A_11, %dma_start3A_235] : memref<1024x16xf32, #tpu.memory_space<hbm>> -> memref<1x16xf32, #tpu.memory_space<hbm>>
        %dma_start3A_237 = tpu.memref_squeeze %dma_start3A_236 : memref<1x16xf32, #tpu.memory_space<hbm>> -> memref<16xf32, #tpu.memory_space<hbm>>
        %dma_start3A_238 = arith.constant 0 : i32
        %dma_start3A_239 = tpu.memref_slice %arg5[%add3A_11, %dma_start3A_238] : memref<1024x16xf32, #tpu.memory_space<hbm>> -> memref<1x16xf32, #tpu.memory_space<hbm>>
        %dma_start3A_240 = tpu.memref_squeeze %dma_start3A_239 : memref<1x16xf32, #tpu.memory_space<hbm>> -> memref<16xf32, #tpu.memory_space<hbm>>
        tpu.enqueue_dma source(%arg10 : memref<16xf32, #tpu.memory_space<vmem>>) target(%dma_start3A_240 : memref<16xf32, #tpu.memory_space<hbm>>) target_semaphore(%run_scoped3A : memref<!tpu.dma_semaphore, #tpu.memory_space<semaphore_mem>>)
        %dma_wait3A_241 = arith.constant 0 : i32
        %dma_wait3A_242 = tpu.memref_slice %arg5[%add3A_11, %dma_wait3A_241] : memref<1024x16xf32, #tpu.memory_space<hbm>> -> memref<1x16xf32, #tpu.memory_space<hbm>>
        %dma_wait3A_243 = tpu.memref_squeeze %dma_wait3A_242 : memref<1x16xf32, #tpu.memory_space<hbm>> -> memref<16xf32, #tpu.memory_space<hbm>>
        %dma_wait3A_244 = arith.constant 0 : i32
        %dma_wait3A_245 = tpu.memref_slice %arg5[%add3A_11, %dma_wait3A_244] : memref<1024x16xf32, #tpu.memory_space<hbm>> -> memref<1x16xf32, #tpu.memory_space<hbm>>
        %dma_wait3A_246 = tpu.memref_squeeze %dma_wait3A_245 : memref<1x16xf32, #tpu.memory_space<hbm>> -> memref<16xf32, #tpu.memory_space<hbm>>
        tpu.wait_dma2 semaphore(%run_scoped3A : memref<!tpu.dma_semaphore, #tpu.memory_space<semaphore_mem>>) src(%arg10 : memref<16xf32, #tpu.memory_space<vmem>>) dst(%dma_wait3A_246 : memref<16xf32, #tpu.memory_space<hbm>>)
        tpu.yield
      }) : () -> ()
      %scan3A_234 = arith.constant 0 : i32
      scf.yield %scan3A_234 : i32
    }
    %scan3A_6 = arith.constant 32 : i32
    return
  }
}

module attributes {stable_mosaic.version = 14 : i64} {
  func.func @_gm_body(%arg0: i32, %arg1: memref<128x16xf32, #tpu.memory_space<vmem>>, %arg2: memref<16x102400xf32, #tpu.memory_space<vmem>>, %arg3: memref<128x3200xf32, #tpu.memory_space<vmem>>) attributes {dimension_semantics = [#tpu.dimension_semantics<arbitrary>], iteration_bounds = array<i64: 8>, scalar_prefetch = 0 : i64, scratch_operands = 0 : i64, tpu.core_type = #tpu.core_type<tc>, window_params = [{transform_indices = @transform_0, window_bounds = array<i64: 128, 16>}, {pipeline_mode = #tpu.pipeline_mode<synchronous>, transform_indices = @transform_1, window_bounds = array<i64: 16, 102400>}, {transform_indices = @transform_2, window_bounds = array<i64: 128, 3200>}]} {
    %get3A = arith.constant 0 : index
    %get3A_0 = arith.constant 0 : index
    %get3A_1 = vector.load %arg1[%get3A, %get3A_0] : memref<128x16xf32, #tpu.memory_space<vmem>>, vector<128x16xf32>
    %mul3A = arith.mulf %get3A_1, %get3A_1 : vector<128x16xf32>
    %reduce_sum3A = arith.constant dense<0.000000e+00> : vector<128xf32>
    %reduce_sum3A_2 = vector.multi_reduction <add>, %mul3A, %reduce_sum3A [1] : vector<128x16xf32> to vector<128xf32>
    %broadcast_in_dim3A = vector.shape_cast %reduce_sum3A_2 : vector<128xf32> to vector<128x1xf32>
    %get3A_3 = arith.constant 0 : index
    %get3A_4 = arith.constant 0 : index
    %get3A_5 = vector.load %arg2[%get3A_3, %get3A_4] : memref<16x102400xf32, #tpu.memory_space<vmem>>, vector<16x6400xf32>
    %mul3A_6 = arith.mulf %get3A_5, %get3A_5 : vector<16x6400xf32>
    %reduce_sum3A_7 = arith.constant dense<0.000000e+00> : vector<6400xf32>
    %reduce_sum3A_8 = vector.multi_reduction <add>, %mul3A_6, %reduce_sum3A_7 [0] : vector<16x6400xf32> to vector<6400xf32>
    %broadcast_in_dim3A_9 = vector.shape_cast %reduce_sum3A_8 : vector<6400xf32> to vector<1x6400xf32>
    %dot_general3A = arith.constant dense<0.000000e+00> : vector<128x6400xf32>
    %dot_general3A_10 = tpu.matmul %get3A_1, %get3A_5, %dot_general3A {dimension_numbers = #tpu.dot_dimension_numbers<[1], [0], [0], [1], [0, 0, 1, 1], [], []>, transpose_lhs_hint = false} : vector<128x16xf32>, vector<16x6400xf32>, vector<128x6400xf32> -> vector<128x6400xf32>
    %add3A = vector.broadcast %broadcast_in_dim3A : vector<128x1xf32> to vector<128x6400xf32>
    %add3A_11 = vector.broadcast %broadcast_in_dim3A_9 : vector<1x6400xf32> to vector<128x6400xf32>
    %add3A_12 = arith.addf %add3A, %add3A_11 : vector<128x6400xf32>
    %mul3A_13 = arith.constant 2.000000e+00 : f32
    %mul3A_14 = vector.broadcast %mul3A_13 : f32 to vector<128x6400xf32>
    %mul3A_15 = arith.mulf %mul3A_14, %dot_general3A_10 : vector<128x6400xf32>
    %sub3A = arith.subf %add3A_12, %mul3A_15 : vector<128x6400xf32>
    %max3A = arith.constant 0.000000e+00 : f32
    %max3A_16 = vector.broadcast %max3A : f32 to vector<128x6400xf32>
    %max3A_17 = arith.maximumf %sub3A, %max3A_16 : vector<128x6400xf32>
    %slice3A = vector.extract_strided_slice %max3A_17 {offsets = [0, 0], sizes = [128, 3200], strides = [1, 1]} : vector<128x6400xf32> to vector<128x3200xf32>
    %slice3A_18 = vector.extract_strided_slice %max3A_17 {offsets = [0, 3200], sizes = [128, 3200], strides = [1, 1]} : vector<128x6400xf32> to vector<128x3200xf32>
    %min3A = arith.minimumf %slice3A, %slice3A_18 : vector<128x3200xf32>
    %get3A_19 = arith.constant 0 : index
    %get3A_20 = arith.constant 6400 : index
    %get3A_21 = vector.load %arg2[%get3A_19, %get3A_20] : memref<16x102400xf32, #tpu.memory_space<vmem>>, vector<16x6400xf32>
    %mul3A_22 = arith.mulf %get3A_21, %get3A_21 : vector<16x6400xf32>
    %reduce_sum3A_23 = arith.constant dense<0.000000e+00> : vector<6400xf32>
    %reduce_sum3A_24 = vector.multi_reduction <add>, %mul3A_22, %reduce_sum3A_23 [0] : vector<16x6400xf32> to vector<6400xf32>
    %broadcast_in_dim3A_25 = vector.shape_cast %reduce_sum3A_24 : vector<6400xf32> to vector<1x6400xf32>
    %dot_general3A_26 = arith.constant dense<0.000000e+00> : vector<128x6400xf32>
    %dot_general3A_27 = tpu.matmul %get3A_1, %get3A_21, %dot_general3A_26 {dimension_numbers = #tpu.dot_dimension_numbers<[1], [0], [0], [1], [0, 0, 1, 1], [], []>, transpose_lhs_hint = false} : vector<128x16xf32>, vector<16x6400xf32>, vector<128x6400xf32> -> vector<128x6400xf32>
    %add3A_28 = vector.broadcast %broadcast_in_dim3A : vector<128x1xf32> to vector<128x6400xf32>
    %add3A_29 = vector.broadcast %broadcast_in_dim3A_25 : vector<1x6400xf32> to vector<128x6400xf32>
    %add3A_30 = arith.addf %add3A_28, %add3A_29 : vector<128x6400xf32>
    %mul3A_31 = arith.constant 2.000000e+00 : f32
    %mul3A_32 = vector.broadcast %mul3A_31 : f32 to vector<128x6400xf32>
    %mul3A_33 = arith.mulf %mul3A_32, %dot_general3A_27 : vector<128x6400xf32>
    %sub3A_34 = arith.subf %add3A_30, %mul3A_33 : vector<128x6400xf32>
    %max3A_35 = arith.constant 0.000000e+00 : f32
    %max3A_36 = vector.broadcast %max3A_35 : f32 to vector<128x6400xf32>
    %max3A_37 = arith.maximumf %sub3A_34, %max3A_36 : vector<128x6400xf32>
    %slice3A_38 = vector.extract_strided_slice %max3A_37 {offsets = [0, 0], sizes = [128, 3200], strides = [1, 1]} : vector<128x6400xf32> to vector<128x3200xf32>
    %slice3A_39 = vector.extract_strided_slice %max3A_37 {offsets = [0, 3200], sizes = [128, 3200], strides = [1, 1]} : vector<128x6400xf32> to vector<128x3200xf32>
    %min3A_40 = arith.minimumf %slice3A_38, %slice3A_39 : vector<128x3200xf32>
    %min3A_41 = arith.minimumf %min3A, %min3A_40 : vector<128x3200xf32>
    %get3A_42 = arith.constant 0 : index
    %get3A_43 = arith.constant 12800 : index
    %get3A_44 = vector.load %arg2[%get3A_42, %get3A_43] : memref<16x102400xf32, #tpu.memory_space<vmem>>, vector<16x6400xf32>
    %mul3A_45 = arith.mulf %get3A_44, %get3A_44 : vector<16x6400xf32>
    %reduce_sum3A_46 = arith.constant dense<0.000000e+00> : vector<6400xf32>
    %reduce_sum3A_47 = vector.multi_reduction <add>, %mul3A_45, %reduce_sum3A_46 [0] : vector<16x6400xf32> to vector<6400xf32>
    %broadcast_in_dim3A_48 = vector.shape_cast %reduce_sum3A_47 : vector<6400xf32> to vector<1x6400xf32>
    %dot_general3A_49 = arith.constant dense<0.000000e+00> : vector<128x6400xf32>
    %dot_general3A_50 = tpu.matmul %get3A_1, %get3A_44, %dot_general3A_49 {dimension_numbers = #tpu.dot_dimension_numbers<[1], [0], [0], [1], [0, 0, 1, 1], [], []>, transpose_lhs_hint = false} : vector<128x16xf32>, vector<16x6400xf32>, vector<128x6400xf32> -> vector<128x6400xf32>
    %add3A_51 = vector.broadcast %broadcast_in_dim3A : vector<128x1xf32> to vector<128x6400xf32>
    %add3A_52 = vector.broadcast %broadcast_in_dim3A_48 : vector<1x6400xf32> to vector<128x6400xf32>
    %add3A_53 = arith.addf %add3A_51, %add3A_52 : vector<128x6400xf32>
    %mul3A_54 = arith.constant 2.000000e+00 : f32
    %mul3A_55 = vector.broadcast %mul3A_54 : f32 to vector<128x6400xf32>
    %mul3A_56 = arith.mulf %mul3A_55, %dot_general3A_50 : vector<128x6400xf32>
    %sub3A_57 = arith.subf %add3A_53, %mul3A_56 : vector<128x6400xf32>
    %max3A_58 = arith.constant 0.000000e+00 : f32
    %max3A_59 = vector.broadcast %max3A_58 : f32 to vector<128x6400xf32>
    %max3A_60 = arith.maximumf %sub3A_57, %max3A_59 : vector<128x6400xf32>
    %slice3A_61 = vector.extract_strided_slice %max3A_60 {offsets = [0, 0], sizes = [128, 3200], strides = [1, 1]} : vector<128x6400xf32> to vector<128x3200xf32>
    %slice3A_62 = vector.extract_strided_slice %max3A_60 {offsets = [0, 3200], sizes = [128, 3200], strides = [1, 1]} : vector<128x6400xf32> to vector<128x3200xf32>
    %min3A_63 = arith.minimumf %slice3A_61, %slice3A_62 : vector<128x3200xf32>
    %min3A_64 = arith.minimumf %min3A_41, %min3A_63 : vector<128x3200xf32>
    %get3A_65 = arith.constant 0 : index
    %get3A_66 = arith.constant 19200 : index
    %get3A_67 = vector.load %arg2[%get3A_65, %get3A_66] : memref<16x102400xf32, #tpu.memory_space<vmem>>, vector<16x6400xf32>
    %mul3A_68 = arith.mulf %get3A_67, %get3A_67 : vector<16x6400xf32>
    %reduce_sum3A_69 = arith.constant dense<0.000000e+00> : vector<6400xf32>
    %reduce_sum3A_70 = vector.multi_reduction <add>, %mul3A_68, %reduce_sum3A_69 [0] : vector<16x6400xf32> to vector<6400xf32>
    %broadcast_in_dim3A_71 = vector.shape_cast %reduce_sum3A_70 : vector<6400xf32> to vector<1x6400xf32>
    %dot_general3A_72 = arith.constant dense<0.000000e+00> : vector<128x6400xf32>
    %dot_general3A_73 = tpu.matmul %get3A_1, %get3A_67, %dot_general3A_72 {dimension_numbers = #tpu.dot_dimension_numbers<[1], [0], [0], [1], [0, 0, 1, 1], [], []>, transpose_lhs_hint = false} : vector<128x16xf32>, vector<16x6400xf32>, vector<128x6400xf32> -> vector<128x6400xf32>
    %add3A_74 = vector.broadcast %broadcast_in_dim3A : vector<128x1xf32> to vector<128x6400xf32>
    %add3A_75 = vector.broadcast %broadcast_in_dim3A_71 : vector<1x6400xf32> to vector<128x6400xf32>
    %add3A_76 = arith.addf %add3A_74, %add3A_75 : vector<128x6400xf32>
    %mul3A_77 = arith.constant 2.000000e+00 : f32
    %mul3A_78 = vector.broadcast %mul3A_77 : f32 to vector<128x6400xf32>
    %mul3A_79 = arith.mulf %mul3A_78, %dot_general3A_73 : vector<128x6400xf32>
    %sub3A_80 = arith.subf %add3A_76, %mul3A_79 : vector<128x6400xf32>
    %max3A_81 = arith.constant 0.000000e+00 : f32
    %max3A_82 = vector.broadcast %max3A_81 : f32 to vector<128x6400xf32>
    %max3A_83 = arith.maximumf %sub3A_80, %max3A_82 : vector<128x6400xf32>
    %slice3A_84 = vector.extract_strided_slice %max3A_83 {offsets = [0, 0], sizes = [128, 3200], strides = [1, 1]} : vector<128x6400xf32> to vector<128x3200xf32>
    %slice3A_85 = vector.extract_strided_slice %max3A_83 {offsets = [0, 3200], sizes = [128, 3200], strides = [1, 1]} : vector<128x6400xf32> to vector<128x3200xf32>
    %min3A_86 = arith.minimumf %slice3A_84, %slice3A_85 : vector<128x3200xf32>
    %min3A_87 = arith.minimumf %min3A_64, %min3A_86 : vector<128x3200xf32>
    %get3A_88 = arith.constant 0 : index
    %get3A_89 = arith.constant 25600 : index
    %get3A_90 = vector.load %arg2[%get3A_88, %get3A_89] : memref<16x102400xf32, #tpu.memory_space<vmem>>, vector<16x6400xf32>
    %mul3A_91 = arith.mulf %get3A_90, %get3A_90 : vector<16x6400xf32>
    %reduce_sum3A_92 = arith.constant dense<0.000000e+00> : vector<6400xf32>
    %reduce_sum3A_93 = vector.multi_reduction <add>, %mul3A_91, %reduce_sum3A_92 [0] : vector<16x6400xf32> to vector<6400xf32>
    %broadcast_in_dim3A_94 = vector.shape_cast %reduce_sum3A_93 : vector<6400xf32> to vector<1x6400xf32>
    %dot_general3A_95 = arith.constant dense<0.000000e+00> : vector<128x6400xf32>
    %dot_general3A_96 = tpu.matmul %get3A_1, %get3A_90, %dot_general3A_95 {dimension_numbers = #tpu.dot_dimension_numbers<[1], [0], [0], [1], [0, 0, 1, 1], [], []>, transpose_lhs_hint = false} : vector<128x16xf32>, vector<16x6400xf32>, vector<128x6400xf32> -> vector<128x6400xf32>
    %add3A_97 = vector.broadcast %broadcast_in_dim3A : vector<128x1xf32> to vector<128x6400xf32>
    %add3A_98 = vector.broadcast %broadcast_in_dim3A_94 : vector<1x6400xf32> to vector<128x6400xf32>
    %add3A_99 = arith.addf %add3A_97, %add3A_98 : vector<128x6400xf32>
    %mul3A_100 = arith.constant 2.000000e+00 : f32
    %mul3A_101 = vector.broadcast %mul3A_100 : f32 to vector<128x6400xf32>
    %mul3A_102 = arith.mulf %mul3A_101, %dot_general3A_96 : vector<128x6400xf32>
    %sub3A_103 = arith.subf %add3A_99, %mul3A_102 : vector<128x6400xf32>
    %max3A_104 = arith.constant 0.000000e+00 : f32
    %max3A_105 = vector.broadcast %max3A_104 : f32 to vector<128x6400xf32>
    %max3A_106 = arith.maximumf %sub3A_103, %max3A_105 : vector<128x6400xf32>
    %slice3A_107 = vector.extract_strided_slice %max3A_106 {offsets = [0, 0], sizes = [128, 3200], strides = [1, 1]} : vector<128x6400xf32> to vector<128x3200xf32>
    %slice3A_108 = vector.extract_strided_slice %max3A_106 {offsets = [0, 3200], sizes = [128, 3200], strides = [1, 1]} : vector<128x6400xf32> to vector<128x3200xf32>
    %min3A_109 = arith.minimumf %slice3A_107, %slice3A_108 : vector<128x3200xf32>
    %min3A_110 = arith.minimumf %min3A_87, %min3A_109 : vector<128x3200xf32>
    %get3A_111 = arith.constant 0 : index
    %get3A_112 = arith.constant 32000 : index
    %get3A_113 = vector.load %arg2[%get3A_111, %get3A_112] : memref<16x102400xf32, #tpu.memory_space<vmem>>, vector<16x6400xf32>
    %mul3A_114 = arith.mulf %get3A_113, %get3A_113 : vector<16x6400xf32>
    %reduce_sum3A_115 = arith.constant dense<0.000000e+00> : vector<6400xf32>
    %reduce_sum3A_116 = vector.multi_reduction <add>, %mul3A_114, %reduce_sum3A_115 [0] : vector<16x6400xf32> to vector<6400xf32>
    %broadcast_in_dim3A_117 = vector.shape_cast %reduce_sum3A_116 : vector<6400xf32> to vector<1x6400xf32>
    %dot_general3A_118 = arith.constant dense<0.000000e+00> : vector<128x6400xf32>
    %dot_general3A_119 = tpu.matmul %get3A_1, %get3A_113, %dot_general3A_118 {dimension_numbers = #tpu.dot_dimension_numbers<[1], [0], [0], [1], [0, 0, 1, 1], [], []>, transpose_lhs_hint = false} : vector<128x16xf32>, vector<16x6400xf32>, vector<128x6400xf32> -> vector<128x6400xf32>
    %add3A_120 = vector.broadcast %broadcast_in_dim3A : vector<128x1xf32> to vector<128x6400xf32>
    %add3A_121 = vector.broadcast %broadcast_in_dim3A_117 : vector<1x6400xf32> to vector<128x6400xf32>
    %add3A_122 = arith.addf %add3A_120, %add3A_121 : vector<128x6400xf32>
    %mul3A_123 = arith.constant 2.000000e+00 : f32
    %mul3A_124 = vector.broadcast %mul3A_123 : f32 to vector<128x6400xf32>
    %mul3A_125 = arith.mulf %mul3A_124, %dot_general3A_119 : vector<128x6400xf32>
    %sub3A_126 = arith.subf %add3A_122, %mul3A_125 : vector<128x6400xf32>
    %max3A_127 = arith.constant 0.000000e+00 : f32
    %max3A_128 = vector.broadcast %max3A_127 : f32 to vector<128x6400xf32>
    %max3A_129 = arith.maximumf %sub3A_126, %max3A_128 : vector<128x6400xf32>
    %slice3A_130 = vector.extract_strided_slice %max3A_129 {offsets = [0, 0], sizes = [128, 3200], strides = [1, 1]} : vector<128x6400xf32> to vector<128x3200xf32>
    %slice3A_131 = vector.extract_strided_slice %max3A_129 {offsets = [0, 3200], sizes = [128, 3200], strides = [1, 1]} : vector<128x6400xf32> to vector<128x3200xf32>
    %min3A_132 = arith.minimumf %slice3A_130, %slice3A_131 : vector<128x3200xf32>
    %min3A_133 = arith.minimumf %min3A_110, %min3A_132 : vector<128x3200xf32>
    %get3A_134 = arith.constant 0 : index
    %get3A_135 = arith.constant 38400 : index
    %get3A_136 = vector.load %arg2[%get3A_134, %get3A_135] : memref<16x102400xf32, #tpu.memory_space<vmem>>, vector<16x6400xf32>
    %mul3A_137 = arith.mulf %get3A_136, %get3A_136 : vector<16x6400xf32>
    %reduce_sum3A_138 = arith.constant dense<0.000000e+00> : vector<6400xf32>
    %reduce_sum3A_139 = vector.multi_reduction <add>, %mul3A_137, %reduce_sum3A_138 [0] : vector<16x6400xf32> to vector<6400xf32>
    %broadcast_in_dim3A_140 = vector.shape_cast %reduce_sum3A_139 : vector<6400xf32> to vector<1x6400xf32>
    %dot_general3A_141 = arith.constant dense<0.000000e+00> : vector<128x6400xf32>
    %dot_general3A_142 = tpu.matmul %get3A_1, %get3A_136, %dot_general3A_141 {dimension_numbers = #tpu.dot_dimension_numbers<[1], [0], [0], [1], [0, 0, 1, 1], [], []>, transpose_lhs_hint = false} : vector<128x16xf32>, vector<16x6400xf32>, vector<128x6400xf32> -> vector<128x6400xf32>
    %add3A_143 = vector.broadcast %broadcast_in_dim3A : vector<128x1xf32> to vector<128x6400xf32>
    %add3A_144 = vector.broadcast %broadcast_in_dim3A_140 : vector<1x6400xf32> to vector<128x6400xf32>
    %add3A_145 = arith.addf %add3A_143, %add3A_144 : vector<128x6400xf32>
    %mul3A_146 = arith.constant 2.000000e+00 : f32
    %mul3A_147 = vector.broadcast %mul3A_146 : f32 to vector<128x6400xf32>
    %mul3A_148 = arith.mulf %mul3A_147, %dot_general3A_142 : vector<128x6400xf32>
    %sub3A_149 = arith.subf %add3A_145, %mul3A_148 : vector<128x6400xf32>
    %max3A_150 = arith.constant 0.000000e+00 : f32
    %max3A_151 = vector.broadcast %max3A_150 : f32 to vector<128x6400xf32>
    %max3A_152 = arith.maximumf %sub3A_149, %max3A_151 : vector<128x6400xf32>
    %slice3A_153 = vector.extract_strided_slice %max3A_152 {offsets = [0, 0], sizes = [128, 3200], strides = [1, 1]} : vector<128x6400xf32> to vector<128x3200xf32>
    %slice3A_154 = vector.extract_strided_slice %max3A_152 {offsets = [0, 3200], sizes = [128, 3200], strides = [1, 1]} : vector<128x6400xf32> to vector<128x3200xf32>
    %min3A_155 = arith.minimumf %slice3A_153, %slice3A_154 : vector<128x3200xf32>
    %min3A_156 = arith.minimumf %min3A_133, %min3A_155 : vector<128x3200xf32>
    %get3A_157 = arith.constant 0 : index
    %get3A_158 = arith.constant 44800 : index
    %get3A_159 = vector.load %arg2[%get3A_157, %get3A_158] : memref<16x102400xf32, #tpu.memory_space<vmem>>, vector<16x6400xf32>
    %mul3A_160 = arith.mulf %get3A_159, %get3A_159 : vector<16x6400xf32>
    %reduce_sum3A_161 = arith.constant dense<0.000000e+00> : vector<6400xf32>
    %reduce_sum3A_162 = vector.multi_reduction <add>, %mul3A_160, %reduce_sum3A_161 [0] : vector<16x6400xf32> to vector<6400xf32>
    %broadcast_in_dim3A_163 = vector.shape_cast %reduce_sum3A_162 : vector<6400xf32> to vector<1x6400xf32>
    %dot_general3A_164 = arith.constant dense<0.000000e+00> : vector<128x6400xf32>
    %dot_general3A_165 = tpu.matmul %get3A_1, %get3A_159, %dot_general3A_164 {dimension_numbers = #tpu.dot_dimension_numbers<[1], [0], [0], [1], [0, 0, 1, 1], [], []>, transpose_lhs_hint = false} : vector<128x16xf32>, vector<16x6400xf32>, vector<128x6400xf32> -> vector<128x6400xf32>
    %add3A_166 = vector.broadcast %broadcast_in_dim3A : vector<128x1xf32> to vector<128x6400xf32>
    %add3A_167 = vector.broadcast %broadcast_in_dim3A_163 : vector<1x6400xf32> to vector<128x6400xf32>
    %add3A_168 = arith.addf %add3A_166, %add3A_167 : vector<128x6400xf32>
    %mul3A_169 = arith.constant 2.000000e+00 : f32
    %mul3A_170 = vector.broadcast %mul3A_169 : f32 to vector<128x6400xf32>
    %mul3A_171 = arith.mulf %mul3A_170, %dot_general3A_165 : vector<128x6400xf32>
    %sub3A_172 = arith.subf %add3A_168, %mul3A_171 : vector<128x6400xf32>
    %max3A_173 = arith.constant 0.000000e+00 : f32
    %max3A_174 = vector.broadcast %max3A_173 : f32 to vector<128x6400xf32>
    %max3A_175 = arith.maximumf %sub3A_172, %max3A_174 : vector<128x6400xf32>
    %slice3A_176 = vector.extract_strided_slice %max3A_175 {offsets = [0, 0], sizes = [128, 3200], strides = [1, 1]} : vector<128x6400xf32> to vector<128x3200xf32>
    %slice3A_177 = vector.extract_strided_slice %max3A_175 {offsets = [0, 3200], sizes = [128, 3200], strides = [1, 1]} : vector<128x6400xf32> to vector<128x3200xf32>
    %min3A_178 = arith.minimumf %slice3A_176, %slice3A_177 : vector<128x3200xf32>
    %min3A_179 = arith.minimumf %min3A_156, %min3A_178 : vector<128x3200xf32>
    %get3A_180 = arith.constant 0 : index
    %get3A_181 = arith.constant 51200 : index
    %get3A_182 = vector.load %arg2[%get3A_180, %get3A_181] : memref<16x102400xf32, #tpu.memory_space<vmem>>, vector<16x6400xf32>
    %mul3A_183 = arith.mulf %get3A_182, %get3A_182 : vector<16x6400xf32>
    %reduce_sum3A_184 = arith.constant dense<0.000000e+00> : vector<6400xf32>
    %reduce_sum3A_185 = vector.multi_reduction <add>, %mul3A_183, %reduce_sum3A_184 [0] : vector<16x6400xf32> to vector<6400xf32>
    %broadcast_in_dim3A_186 = vector.shape_cast %reduce_sum3A_185 : vector<6400xf32> to vector<1x6400xf32>
    %dot_general3A_187 = arith.constant dense<0.000000e+00> : vector<128x6400xf32>
    %dot_general3A_188 = tpu.matmul %get3A_1, %get3A_182, %dot_general3A_187 {dimension_numbers = #tpu.dot_dimension_numbers<[1], [0], [0], [1], [0, 0, 1, 1], [], []>, transpose_lhs_hint = false} : vector<128x16xf32>, vector<16x6400xf32>, vector<128x6400xf32> -> vector<128x6400xf32>
    %add3A_189 = vector.broadcast %broadcast_in_dim3A : vector<128x1xf32> to vector<128x6400xf32>
    %add3A_190 = vector.broadcast %broadcast_in_dim3A_186 : vector<1x6400xf32> to vector<128x6400xf32>
    %add3A_191 = arith.addf %add3A_189, %add3A_190 : vector<128x6400xf32>
    %mul3A_192 = arith.constant 2.000000e+00 : f32
    %mul3A_193 = vector.broadcast %mul3A_192 : f32 to vector<128x6400xf32>
    %mul3A_194 = arith.mulf %mul3A_193, %dot_general3A_188 : vector<128x6400xf32>
    %sub3A_195 = arith.subf %add3A_191, %mul3A_194 : vector<128x6400xf32>
    %max3A_196 = arith.constant 0.000000e+00 : f32
    %max3A_197 = vector.broadcast %max3A_196 : f32 to vector<128x6400xf32>
    %max3A_198 = arith.maximumf %sub3A_195, %max3A_197 : vector<128x6400xf32>
    %slice3A_199 = vector.extract_strided_slice %max3A_198 {offsets = [0, 0], sizes = [128, 3200], strides = [1, 1]} : vector<128x6400xf32> to vector<128x3200xf32>
    %slice3A_200 = vector.extract_strided_slice %max3A_198 {offsets = [0, 3200], sizes = [128, 3200], strides = [1, 1]} : vector<128x6400xf32> to vector<128x3200xf32>
    %min3A_201 = arith.minimumf %slice3A_199, %slice3A_200 : vector<128x3200xf32>
    %min3A_202 = arith.minimumf %min3A_179, %min3A_201 : vector<128x3200xf32>
    %get3A_203 = arith.constant 0 : index
    %get3A_204 = arith.constant 57600 : index
    %get3A_205 = vector.load %arg2[%get3A_203, %get3A_204] : memref<16x102400xf32, #tpu.memory_space<vmem>>, vector<16x6400xf32>
    %mul3A_206 = arith.mulf %get3A_205, %get3A_205 : vector<16x6400xf32>
    %reduce_sum3A_207 = arith.constant dense<0.000000e+00> : vector<6400xf32>
    %reduce_sum3A_208 = vector.multi_reduction <add>, %mul3A_206, %reduce_sum3A_207 [0] : vector<16x6400xf32> to vector<6400xf32>
    %broadcast_in_dim3A_209 = vector.shape_cast %reduce_sum3A_208 : vector<6400xf32> to vector<1x6400xf32>
    %dot_general3A_210 = arith.constant dense<0.000000e+00> : vector<128x6400xf32>
    %dot_general3A_211 = tpu.matmul %get3A_1, %get3A_205, %dot_general3A_210 {dimension_numbers = #tpu.dot_dimension_numbers<[1], [0], [0], [1], [0, 0, 1, 1], [], []>, transpose_lhs_hint = false} : vector<128x16xf32>, vector<16x6400xf32>, vector<128x6400xf32> -> vector<128x6400xf32>
    %add3A_212 = vector.broadcast %broadcast_in_dim3A : vector<128x1xf32> to vector<128x6400xf32>
    %add3A_213 = vector.broadcast %broadcast_in_dim3A_209 : vector<1x6400xf32> to vector<128x6400xf32>
    %add3A_214 = arith.addf %add3A_212, %add3A_213 : vector<128x6400xf32>
    %mul3A_215 = arith.constant 2.000000e+00 : f32
    %mul3A_216 = vector.broadcast %mul3A_215 : f32 to vector<128x6400xf32>
    %mul3A_217 = arith.mulf %mul3A_216, %dot_general3A_211 : vector<128x6400xf32>
    %sub3A_218 = arith.subf %add3A_214, %mul3A_217 : vector<128x6400xf32>
    %max3A_219 = arith.constant 0.000000e+00 : f32
    %max3A_220 = vector.broadcast %max3A_219 : f32 to vector<128x6400xf32>
    %max3A_221 = arith.maximumf %sub3A_218, %max3A_220 : vector<128x6400xf32>
    %slice3A_222 = vector.extract_strided_slice %max3A_221 {offsets = [0, 0], sizes = [128, 3200], strides = [1, 1]} : vector<128x6400xf32> to vector<128x3200xf32>
    %slice3A_223 = vector.extract_strided_slice %max3A_221 {offsets = [0, 3200], sizes = [128, 3200], strides = [1, 1]} : vector<128x6400xf32> to vector<128x3200xf32>
    %min3A_224 = arith.minimumf %slice3A_222, %slice3A_223 : vector<128x3200xf32>
    %min3A_225 = arith.minimumf %min3A_202, %min3A_224 : vector<128x3200xf32>
    %get3A_226 = arith.constant 0 : index
    %get3A_227 = arith.constant 64000 : index
    %get3A_228 = vector.load %arg2[%get3A_226, %get3A_227] : memref<16x102400xf32, #tpu.memory_space<vmem>>, vector<16x6400xf32>
    %mul3A_229 = arith.mulf %get3A_228, %get3A_228 : vector<16x6400xf32>
    %reduce_sum3A_230 = arith.constant dense<0.000000e+00> : vector<6400xf32>
    %reduce_sum3A_231 = vector.multi_reduction <add>, %mul3A_229, %reduce_sum3A_230 [0] : vector<16x6400xf32> to vector<6400xf32>
    %broadcast_in_dim3A_232 = vector.shape_cast %reduce_sum3A_231 : vector<6400xf32> to vector<1x6400xf32>
    %dot_general3A_233 = arith.constant dense<0.000000e+00> : vector<128x6400xf32>
    %dot_general3A_234 = tpu.matmul %get3A_1, %get3A_228, %dot_general3A_233 {dimension_numbers = #tpu.dot_dimension_numbers<[1], [0], [0], [1], [0, 0, 1, 1], [], []>, transpose_lhs_hint = false} : vector<128x16xf32>, vector<16x6400xf32>, vector<128x6400xf32> -> vector<128x6400xf32>
    %add3A_235 = vector.broadcast %broadcast_in_dim3A : vector<128x1xf32> to vector<128x6400xf32>
    %add3A_236 = vector.broadcast %broadcast_in_dim3A_232 : vector<1x6400xf32> to vector<128x6400xf32>
    %add3A_237 = arith.addf %add3A_235, %add3A_236 : vector<128x6400xf32>
    %mul3A_238 = arith.constant 2.000000e+00 : f32
    %mul3A_239 = vector.broadcast %mul3A_238 : f32 to vector<128x6400xf32>
    %mul3A_240 = arith.mulf %mul3A_239, %dot_general3A_234 : vector<128x6400xf32>
    %sub3A_241 = arith.subf %add3A_237, %mul3A_240 : vector<128x6400xf32>
    %max3A_242 = arith.constant 0.000000e+00 : f32
    %max3A_243 = vector.broadcast %max3A_242 : f32 to vector<128x6400xf32>
    %max3A_244 = arith.maximumf %sub3A_241, %max3A_243 : vector<128x6400xf32>
    %slice3A_245 = vector.extract_strided_slice %max3A_244 {offsets = [0, 0], sizes = [128, 3200], strides = [1, 1]} : vector<128x6400xf32> to vector<128x3200xf32>
    %slice3A_246 = vector.extract_strided_slice %max3A_244 {offsets = [0, 3200], sizes = [128, 3200], strides = [1, 1]} : vector<128x6400xf32> to vector<128x3200xf32>
    %min3A_247 = arith.minimumf %slice3A_245, %slice3A_246 : vector<128x3200xf32>
    %min3A_248 = arith.minimumf %min3A_225, %min3A_247 : vector<128x3200xf32>
    %get3A_249 = arith.constant 0 : index
    %get3A_250 = arith.constant 70400 : index
    %get3A_251 = vector.load %arg2[%get3A_249, %get3A_250] : memref<16x102400xf32, #tpu.memory_space<vmem>>, vector<16x6400xf32>
    %mul3A_252 = arith.mulf %get3A_251, %get3A_251 : vector<16x6400xf32>
    %reduce_sum3A_253 = arith.constant dense<0.000000e+00> : vector<6400xf32>
    %reduce_sum3A_254 = vector.multi_reduction <add>, %mul3A_252, %reduce_sum3A_253 [0] : vector<16x6400xf32> to vector<6400xf32>
    %broadcast_in_dim3A_255 = vector.shape_cast %reduce_sum3A_254 : vector<6400xf32> to vector<1x6400xf32>
    %dot_general3A_256 = arith.constant dense<0.000000e+00> : vector<128x6400xf32>
    %dot_general3A_257 = tpu.matmul %get3A_1, %get3A_251, %dot_general3A_256 {dimension_numbers = #tpu.dot_dimension_numbers<[1], [0], [0], [1], [0, 0, 1, 1], [], []>, transpose_lhs_hint = false} : vector<128x16xf32>, vector<16x6400xf32>, vector<128x6400xf32> -> vector<128x6400xf32>
    %add3A_258 = vector.broadcast %broadcast_in_dim3A : vector<128x1xf32> to vector<128x6400xf32>
    %add3A_259 = vector.broadcast %broadcast_in_dim3A_255 : vector<1x6400xf32> to vector<128x6400xf32>
    %add3A_260 = arith.addf %add3A_258, %add3A_259 : vector<128x6400xf32>
    %mul3A_261 = arith.constant 2.000000e+00 : f32
    %mul3A_262 = vector.broadcast %mul3A_261 : f32 to vector<128x6400xf32>
    %mul3A_263 = arith.mulf %mul3A_262, %dot_general3A_257 : vector<128x6400xf32>
    %sub3A_264 = arith.subf %add3A_260, %mul3A_263 : vector<128x6400xf32>
    %max3A_265 = arith.constant 0.000000e+00 : f32
    %max3A_266 = vector.broadcast %max3A_265 : f32 to vector<128x6400xf32>
    %max3A_267 = arith.maximumf %sub3A_264, %max3A_266 : vector<128x6400xf32>
    %slice3A_268 = vector.extract_strided_slice %max3A_267 {offsets = [0, 0], sizes = [128, 3200], strides = [1, 1]} : vector<128x6400xf32> to vector<128x3200xf32>
    %slice3A_269 = vector.extract_strided_slice %max3A_267 {offsets = [0, 3200], sizes = [128, 3200], strides = [1, 1]} : vector<128x6400xf32> to vector<128x3200xf32>
    %min3A_270 = arith.minimumf %slice3A_268, %slice3A_269 : vector<128x3200xf32>
    %min3A_271 = arith.minimumf %min3A_248, %min3A_270 : vector<128x3200xf32>
    %get3A_272 = arith.constant 0 : index
    %get3A_273 = arith.constant 76800 : index
    %get3A_274 = vector.load %arg2[%get3A_272, %get3A_273] : memref<16x102400xf32, #tpu.memory_space<vmem>>, vector<16x6400xf32>
    %mul3A_275 = arith.mulf %get3A_274, %get3A_274 : vector<16x6400xf32>
    %reduce_sum3A_276 = arith.constant dense<0.000000e+00> : vector<6400xf32>
    %reduce_sum3A_277 = vector.multi_reduction <add>, %mul3A_275, %reduce_sum3A_276 [0] : vector<16x6400xf32> to vector<6400xf32>
    %broadcast_in_dim3A_278 = vector.shape_cast %reduce_sum3A_277 : vector<6400xf32> to vector<1x6400xf32>
    %dot_general3A_279 = arith.constant dense<0.000000e+00> : vector<128x6400xf32>
    %dot_general3A_280 = tpu.matmul %get3A_1, %get3A_274, %dot_general3A_279 {dimension_numbers = #tpu.dot_dimension_numbers<[1], [0], [0], [1], [0, 0, 1, 1], [], []>, transpose_lhs_hint = false} : vector<128x16xf32>, vector<16x6400xf32>, vector<128x6400xf32> -> vector<128x6400xf32>
    %add3A_281 = vector.broadcast %broadcast_in_dim3A : vector<128x1xf32> to vector<128x6400xf32>
    %add3A_282 = vector.broadcast %broadcast_in_dim3A_278 : vector<1x6400xf32> to vector<128x6400xf32>
    %add3A_283 = arith.addf %add3A_281, %add3A_282 : vector<128x6400xf32>
    %mul3A_284 = arith.constant 2.000000e+00 : f32
    %mul3A_285 = vector.broadcast %mul3A_284 : f32 to vector<128x6400xf32>
    %mul3A_286 = arith.mulf %mul3A_285, %dot_general3A_280 : vector<128x6400xf32>
    %sub3A_287 = arith.subf %add3A_283, %mul3A_286 : vector<128x6400xf32>
    %max3A_288 = arith.constant 0.000000e+00 : f32
    %max3A_289 = vector.broadcast %max3A_288 : f32 to vector<128x6400xf32>
    %max3A_290 = arith.maximumf %sub3A_287, %max3A_289 : vector<128x6400xf32>
    %slice3A_291 = vector.extract_strided_slice %max3A_290 {offsets = [0, 0], sizes = [128, 3200], strides = [1, 1]} : vector<128x6400xf32> to vector<128x3200xf32>
    %slice3A_292 = vector.extract_strided_slice %max3A_290 {offsets = [0, 3200], sizes = [128, 3200], strides = [1, 1]} : vector<128x6400xf32> to vector<128x3200xf32>
    %min3A_293 = arith.minimumf %slice3A_291, %slice3A_292 : vector<128x3200xf32>
    %min3A_294 = arith.minimumf %min3A_271, %min3A_293 : vector<128x3200xf32>
    %get3A_295 = arith.constant 0 : index
    %get3A_296 = arith.constant 83200 : index
    %get3A_297 = vector.load %arg2[%get3A_295, %get3A_296] : memref<16x102400xf32, #tpu.memory_space<vmem>>, vector<16x6400xf32>
    %mul3A_298 = arith.mulf %get3A_297, %get3A_297 : vector<16x6400xf32>
    %reduce_sum3A_299 = arith.constant dense<0.000000e+00> : vector<6400xf32>
    %reduce_sum3A_300 = vector.multi_reduction <add>, %mul3A_298, %reduce_sum3A_299 [0] : vector<16x6400xf32> to vector<6400xf32>
    %broadcast_in_dim3A_301 = vector.shape_cast %reduce_sum3A_300 : vector<6400xf32> to vector<1x6400xf32>
    %dot_general3A_302 = arith.constant dense<0.000000e+00> : vector<128x6400xf32>
    %dot_general3A_303 = tpu.matmul %get3A_1, %get3A_297, %dot_general3A_302 {dimension_numbers = #tpu.dot_dimension_numbers<[1], [0], [0], [1], [0, 0, 1, 1], [], []>, transpose_lhs_hint = false} : vector<128x16xf32>, vector<16x6400xf32>, vector<128x6400xf32> -> vector<128x6400xf32>
    %add3A_304 = vector.broadcast %broadcast_in_dim3A : vector<128x1xf32> to vector<128x6400xf32>
    %add3A_305 = vector.broadcast %broadcast_in_dim3A_301 : vector<1x6400xf32> to vector<128x6400xf32>
    %add3A_306 = arith.addf %add3A_304, %add3A_305 : vector<128x6400xf32>
    %mul3A_307 = arith.constant 2.000000e+00 : f32
    %mul3A_308 = vector.broadcast %mul3A_307 : f32 to vector<128x6400xf32>
    %mul3A_309 = arith.mulf %mul3A_308, %dot_general3A_303 : vector<128x6400xf32>
    %sub3A_310 = arith.subf %add3A_306, %mul3A_309 : vector<128x6400xf32>
    %max3A_311 = arith.constant 0.000000e+00 : f32
    %max3A_312 = vector.broadcast %max3A_311 : f32 to vector<128x6400xf32>
    %max3A_313 = arith.maximumf %sub3A_310, %max3A_312 : vector<128x6400xf32>
    %slice3A_314 = vector.extract_strided_slice %max3A_313 {offsets = [0, 0], sizes = [128, 3200], strides = [1, 1]} : vector<128x6400xf32> to vector<128x3200xf32>
    %slice3A_315 = vector.extract_strided_slice %max3A_313 {offsets = [0, 3200], sizes = [128, 3200], strides = [1, 1]} : vector<128x6400xf32> to vector<128x3200xf32>
    %min3A_316 = arith.minimumf %slice3A_314, %slice3A_315 : vector<128x3200xf32>
    %min3A_317 = arith.minimumf %min3A_294, %min3A_316 : vector<128x3200xf32>
    %get3A_318 = arith.constant 0 : index
    %get3A_319 = arith.constant 89600 : index
    %get3A_320 = vector.load %arg2[%get3A_318, %get3A_319] : memref<16x102400xf32, #tpu.memory_space<vmem>>, vector<16x6400xf32>
    %mul3A_321 = arith.mulf %get3A_320, %get3A_320 : vector<16x6400xf32>
    %reduce_sum3A_322 = arith.constant dense<0.000000e+00> : vector<6400xf32>
    %reduce_sum3A_323 = vector.multi_reduction <add>, %mul3A_321, %reduce_sum3A_322 [0] : vector<16x6400xf32> to vector<6400xf32>
    %broadcast_in_dim3A_324 = vector.shape_cast %reduce_sum3A_323 : vector<6400xf32> to vector<1x6400xf32>
    %dot_general3A_325 = arith.constant dense<0.000000e+00> : vector<128x6400xf32>
    %dot_general3A_326 = tpu.matmul %get3A_1, %get3A_320, %dot_general3A_325 {dimension_numbers = #tpu.dot_dimension_numbers<[1], [0], [0], [1], [0, 0, 1, 1], [], []>, transpose_lhs_hint = false} : vector<128x16xf32>, vector<16x6400xf32>, vector<128x6400xf32> -> vector<128x6400xf32>
    %add3A_327 = vector.broadcast %broadcast_in_dim3A : vector<128x1xf32> to vector<128x6400xf32>
    %add3A_328 = vector.broadcast %broadcast_in_dim3A_324 : vector<1x6400xf32> to vector<128x6400xf32>
    %add3A_329 = arith.addf %add3A_327, %add3A_328 : vector<128x6400xf32>
    %mul3A_330 = arith.constant 2.000000e+00 : f32
    %mul3A_331 = vector.broadcast %mul3A_330 : f32 to vector<128x6400xf32>
    %mul3A_332 = arith.mulf %mul3A_331, %dot_general3A_326 : vector<128x6400xf32>
    %sub3A_333 = arith.subf %add3A_329, %mul3A_332 : vector<128x6400xf32>
    %max3A_334 = arith.constant 0.000000e+00 : f32
    %max3A_335 = vector.broadcast %max3A_334 : f32 to vector<128x6400xf32>
    %max3A_336 = arith.maximumf %sub3A_333, %max3A_335 : vector<128x6400xf32>
    %slice3A_337 = vector.extract_strided_slice %max3A_336 {offsets = [0, 0], sizes = [128, 3200], strides = [1, 1]} : vector<128x6400xf32> to vector<128x3200xf32>
    %slice3A_338 = vector.extract_strided_slice %max3A_336 {offsets = [0, 3200], sizes = [128, 3200], strides = [1, 1]} : vector<128x6400xf32> to vector<128x3200xf32>
    %min3A_339 = arith.minimumf %slice3A_337, %slice3A_338 : vector<128x3200xf32>
    %min3A_340 = arith.minimumf %min3A_317, %min3A_339 : vector<128x3200xf32>
    %get3A_341 = arith.constant 0 : index
    %get3A_342 = arith.constant 96000 : index
    %get3A_343 = vector.load %arg2[%get3A_341, %get3A_342] : memref<16x102400xf32, #tpu.memory_space<vmem>>, vector<16x6400xf32>
    %mul3A_344 = arith.mulf %get3A_343, %get3A_343 : vector<16x6400xf32>
    %reduce_sum3A_345 = arith.constant dense<0.000000e+00> : vector<6400xf32>
    %reduce_sum3A_346 = vector.multi_reduction <add>, %mul3A_344, %reduce_sum3A_345 [0] : vector<16x6400xf32> to vector<6400xf32>
    %broadcast_in_dim3A_347 = vector.shape_cast %reduce_sum3A_346 : vector<6400xf32> to vector<1x6400xf32>
    %dot_general3A_348 = arith.constant dense<0.000000e+00> : vector<128x6400xf32>
    %dot_general3A_349 = tpu.matmul %get3A_1, %get3A_343, %dot_general3A_348 {dimension_numbers = #tpu.dot_dimension_numbers<[1], [0], [0], [1], [0, 0, 1, 1], [], []>, transpose_lhs_hint = false} : vector<128x16xf32>, vector<16x6400xf32>, vector<128x6400xf32> -> vector<128x6400xf32>
    %add3A_350 = vector.broadcast %broadcast_in_dim3A : vector<128x1xf32> to vector<128x6400xf32>
    %add3A_351 = vector.broadcast %broadcast_in_dim3A_347 : vector<1x6400xf32> to vector<128x6400xf32>
    %add3A_352 = arith.addf %add3A_350, %add3A_351 : vector<128x6400xf32>
    %mul3A_353 = arith.constant 2.000000e+00 : f32
    %mul3A_354 = vector.broadcast %mul3A_353 : f32 to vector<128x6400xf32>
    %mul3A_355 = arith.mulf %mul3A_354, %dot_general3A_349 : vector<128x6400xf32>
    %sub3A_356 = arith.subf %add3A_352, %mul3A_355 : vector<128x6400xf32>
    %max3A_357 = arith.constant 0.000000e+00 : f32
    %max3A_358 = vector.broadcast %max3A_357 : f32 to vector<128x6400xf32>
    %max3A_359 = arith.maximumf %sub3A_356, %max3A_358 : vector<128x6400xf32>
    %slice3A_360 = vector.extract_strided_slice %max3A_359 {offsets = [0, 0], sizes = [128, 3200], strides = [1, 1]} : vector<128x6400xf32> to vector<128x3200xf32>
    %slice3A_361 = vector.extract_strided_slice %max3A_359 {offsets = [0, 3200], sizes = [128, 3200], strides = [1, 1]} : vector<128x6400xf32> to vector<128x3200xf32>
    %min3A_362 = arith.minimumf %slice3A_360, %slice3A_361 : vector<128x3200xf32>
    %min3A_363 = arith.minimumf %min3A_340, %min3A_362 : vector<128x3200xf32>
    %swap3A = arith.constant 0 : index
    %swap3A_364 = arith.constant 0 : index
    %swap3A_365 = vector.load %arg3[%swap3A, %swap3A_364] : memref<128x3200xf32, #tpu.memory_space<vmem>>, vector<128x3200xf32>
    tpu.vector_store %arg3[%swap3A, %swap3A_364], %min3A_363 {strides = array<i32>} : memref<128x3200xf32, #tpu.memory_space<vmem>>, vector<128x3200xf32>,
    return
  }
  func.func @transform_0(%arg0: i32) -> (i32, i32) {
    %c0_i32 = arith.constant 0 : i32
    %c0_i32_0 = arith.constant 0 : i32
    return %arg0, %c0_i32 : i32, i32
  }
  func.func @transform_1(%arg0: i32) -> (i32, i32) {
    %c0_i32 = arith.constant 0 : i32
    %c0_i32_0 = arith.constant 0 : i32
    %c0_i32_1 = arith.constant 0 : i32
    return %c0_i32, %c0_i32_0 : i32, i32
  }
  func.func @transform_2(%arg0: i32) -> (i32, i32) {
    %c0_i32 = arith.constant 0 : i32
    %c0_i32_0 = arith.constant 0 : i32
    return %arg0, %c0_i32 : i32, i32
  }
}

</mosaic_0001>

<sc_bundles>
// kernel: kernel.4.cloned.1.call-start
scs
__scs_entry_jumppad:
0x0: {  	(pc) =	sbr.rel $0x88, $3  }
0x1: {  	(tag) =	ssettag $0x0;
	lr =	simm.s32 $0x1  }
0x2: {  	[smem:$0x3F9F] =	sst lr;
	_ =	strace $0xD0000000  }
0x3: {  	_ = 	snop  }
0x4: {  	_ = 	snop  }
0x5: {  	_ = 	snop  }
0x6: {  	_ = 	snop  }
0x7: {  	_ = 	snop  }
__scs_overlays_trampoline_lowered:
0x8: {  	[smem:$0x3FAE] =	sst s0  }
0x9: {  	[smem:$0x3FAF] =	sst s1  }
0xa: {  	[smem:$0x3FB0] =	sst s2  }
0xb: {  	[smem:$0x3FB1] =	sst s3  }
0xc: {  	[smem:$0x3FB2] =	sst s4  }
0xd: {  	[smem:$0x3FB3] =	sst s5  }
0xe: {  	[smem:$0x3FB4] =	sst s6  }
0xf: {  	[smem:$0x3FB5] =	sst s7  }
0x10: {  	[smem:$0x3FB6] =	sst s8  }
0x11: {  	[smem:$0x3FB7] =	sst s9;
	s0 =	simm.s32 @!p0 $0x0  }
0x12: {  	s1 =	sld [smem:$0x3F9D];
	s0 =	simm.s32 @p0 $0x1  }
0x13: {  	[smem:$0x3FB8] =	sst s0;
	s0 =	simm.s32 @!p1 $0x0  }
0x14: {  	s2 =	sld [smem:$0x3F9C];
	s0 =	simm.s32 @p1 $0x1  }
0x15: {  	[smem:$0x3FB9] =	sst s0;
	s0 =	simm.s32 @!p2 $0x0  }
0x16: {  	s3 =	sld [smem:$0x3FDB];
	s0 =	simm.s32 @p2 $0x1  }
0x17: {  	s4 =	simm.s32 $0x1BF5;
	[smem:$0x3FBB] =	sst s0  }
0x18: {  	s0 =	sld [smem:$0x3F9E];
	_ =	swait.ge [sflag:s4], $0x0  }
0x19: {  	s7 =	sld [smem:$0x3F9F]  }
0x1a: {  	s8 =	sadd.s32 $0xFFFFE003, lr  }
0x1b: {  	s9 =	sadd.s32 $0xFFFFFEF7, lr;
	s5 =	simm.s32 $0xFFFFFFFF;
	p2 =	slt.u32 s8, $0xFFFFF086  }
0x1c: {  	p1 =	slt.u32 s9, $0xF7A;
	s5 =	simm.s32 @!p2 $0x0  }
0x1d: {  	s5 =	simm.s32 @p1 $0x1;
	p0 =	seq.s32 s7, s2  }
0x1e: {  	s7 =	smul.u32 @!p0 $0xF7A, s2;
	p2 =	seq.s32 @!p0 s5, $0x0  }
0x1f: {  	s9 =	smul.u32 $0xF7A, s1;
	s8 =	simm.s32 @!p0 $0x1BF5;
	p2 =	por !p2, p0  }
0x20: {  	[sflag:s8] =	ssyncset.s32 @!p0 $0xFFFFF086;
	s6 =	sadd.s32 @!p0 s3, s7;
	s7 =	simm.s32 @!p0 $0x108  }
0x21: {  	s3 =	sadd.s32 s3, s9;
	s6 =	sadd.s32 @!p0 $0x88, s6;
	s7 =	simm.s32 @p2 $0x1082  }
0x22: {  	[simem:s7], [sflag:s8] =	dma.local @!p0 [hbm:s6], $0xF7A  }
0x23: {  	s9 =	sor.u32 $0xD0000000, s2;
	s6 =	simm.s32 $0x108;
	_ =	swait.ge @!p0 [sflag:s8], $0x0  }
0x24: {  	s3 =	sadd.s32 $0x88, s3;
	s6 =	simm.s32 @!p1 $0x1082;
	[sflag:s4] =	ssyncset.s32 $0xFFFFF086  }
0x25: {  	[simem:s6], [sflag:s4] =	dma.local [hbm:s3], $0xF7A  }
0x26: {  	[smem:$0x3F9F] =	sst s1;
	(tag) =	ssettag s2;
	_ =	strace s9  }
0x27: {  	s1 =	sld [smem:$0x3FAF]  }
0x28: {  	s2 =	sld [smem:$0x3FB0]  }
0x29: {  	s4 =	sld [smem:$0x3FB2]  }
0x2a: {  	p0 =	seq.s32 s5, $0x0;
	s5 =	sld [smem:$0x3FB3]  }
0x2b: {  	s6 =	sld [smem:$0x3FB4]  }
0x2c: {  	s7 =	sld [smem:$0x3FB5]  }
0x2d: {  	s3 =	simm.s32 $0x108;
	s8 =	sld [smem:$0x3FB6]  }
0x2e: {  	s3 =	simm.s32 @!p0 $0x1082;
	s9 =	sld [smem:$0x3FB7]  }
0x2f: {  	lr =	sadd.s32 s0, s3;
	s0 =	sld [smem:$0x3FAE]  }
0x30: {  	s3 =	sld [smem:$0x3FB1]  }
0x31: {  	[smem:$0x3FBA] =	sst s10  }
0x32: {  	s10 =	sld [smem:$0x3FB8];
	_ =	sdelay $0x3  }
0x33: {  	p0 =	seq.s32 s10, $0x1;
	s10 =	sld [smem:$0x3FBA];
	_ =	sdelay $0x3  }
0x34: {  	[smem:$0x3FBA] =	sst s10  }
0x35: {  	s10 =	sld [smem:$0x3FB9];
	_ =	sdelay $0x3  }
0x36: {  	p1 =	seq.s32 s10, $0x1;
	s10 =	sld [smem:$0x3FBA];
	_ =	sdelay $0x3  }
0x37: {  	[smem:$0x3FBA] =	sst s10  }
0x38: {  	s10 =	sld [smem:$0x3FBB]  }
0x39: {  	_ = 	snop;
	(pc) =	sbr.ind lr, $3  }
0x3a: {  	_ = 	snop  }
0x3b: {  	_ = 	snop  }
0x3c: {  	p2 =	seq.s32 s10, $0x1;
	s10 =	sld [smem:$0x3FBA]  }
0x3d: {  	_ =	shalt  }
0x3e: {  	_ =	shalt  }
0x3f: {  	_ =	shalt  }
0x40: {  	_ =	shalt  }
0x41: {  	_ =	shalt  }
0x42: {  	_ =	shalt  }
0x43: {  	_ =	shalt  }
0x44: {  	_ =	shalt  }
0x45: {  	_ =	shalt  }
0x46: {  	_ =	shalt  }
0x47: {  	_ =	shalt  }
0x48: {  	_ =	shalt  }
0x49: {  	_ =	shalt  }
0x4a: {  	_ =	shalt  }
0x4b: {  	_ =	shalt  }
0x4c: {  	_ =	shalt  }
0x4d: {  	_ =	shalt  }
0x4e: {  	_ =	shalt  }
0x4f: {  	_ =	shalt  }
0x50: {  	_ =	shalt  }
0x51: {  	_ =	shalt  }
0x52: {  	_ =	shalt  }
0x53: {  	_ =	shalt  }
0x54: {  	_ =	shalt  }
0x55: {  	_ =	shalt  }
0x56: {  	_ =	shalt  }
0x57: {  	_ =	shalt  }
0x58: {  	_ =	shalt  }
0x59: {  	_ =	shalt  }
0x5a: {  	_ =	shalt  }
0x5b: {  	_ =	shalt  }
0x5c: {  	_ =	shalt  }
0x5d: {  	_ =	shalt  }
0x5e: {  	_ =	shalt  }
0x5f: {  	_ =	shalt  }
0x60: {  	_ =	shalt  }
0x61: {  	_ =	shalt  }
0x62: {  	_ =	shalt  }
0x63: {  	_ =	shalt  }
0x64: {  	_ =	shalt  }
0x65: {  	_ =	shalt  }
0x66: {  	_ =	shalt  }
0x67: {  	_ =	shalt  }
0x68: {  	_ =	shalt  }
0x69: {  	_ =	shalt  }
0x6a: {  	_ =	shalt  }
0x6b: {  	_ =	shalt  }
0x6c: {  	_ =	shalt  }
0x6d: {  	_ =	shalt  }
0x6e: {  	_ =	shalt  }
0x6f: {  	_ =	shalt  }
0x70: {  	_ =	shalt  }
0x71: {  	_ =	shalt  }
0x72: {  	_ =	shalt  }
0x73: {  	_ =	shalt  }
0x74: {  	_ =	shalt  }
0x75: {  	_ =	shalt  }
0x76: {  	_ =	shalt  }
0x77: {  	_ =	shalt  }
0x78: {  	_ =	shalt  }
0x79: {  	_ =	shalt  }
0x7a: {  	_ =	shalt  }
0x7b: {  	_ =	shalt  }
0x7c: {  	_ =	shalt  }
0x7d: {  	_ =	shalt  }
0x7e: {  	_ =	shalt  }
0x7f: {  	_ =	shalt  }
0x80: {  	_ =	shalt  }
0x81: {  	_ =	shalt  }
0x82: {  	_ =	shalt  }
0x83: {  	_ =	shalt  }
0x84: {  	_ =	shalt  }
0x85: {  	_ =	shalt  }
0x86: {  	_ =	shalt  }
0x87: {  	_ =	shalt  }
.Lfunc_end0:
.L_simem_size_0:
called_computation_lowered:
.L_overlay_start_0:
0x88: {  	s2 =	sld [smem:$0x3FD9]  }
0x89: {  	s3 =	sld [smem:$0x3FFE];
	_ =	sdelay $0x1  }
0x8a: {  	s1 =	srdreg.scid  }
0x8b: {  	s0 =	sand.u32 $0x1, s1  }
0x8c: {  	s17 =	sshll.u32 s0, $0xA;
	s2 =	sadd.s32 s3, s2  }
0x8d: {  	s2 =	sadd.s32 s2, s17  }
0x8e: {  	[smem:$0x3FC6] =	sst s2  }
0x8f: {  	_ = 	snop  }
0x90: {  	s2 =	sld [smem:$0x3FD0];
	(tm) =	ssettm $0x1  }
0x91: {  	s18 =	sld [smem:$0x3FFB];
	_ =	sdelay $0x3  }
0x92: {  	_ =	strace s18  }
0x93: {  	s3 =	sld [smem:$0x3FFC];
	_ =	sdelay $0x3  }
0x94: {  	_ =	strace s3  }
0x95: {  	s3 =	sld [smem:$0x3FFD];
	_ =	sdelay $0x3  }
0x96: {  	_ =	strace s3  }
0x97: {  	_ =	strace $0x8FFFFFFF  }
0x98: {  	s19 =	sld [smem:$0x3FDB];
	_ =	sdelay $0x1  }
0x99: {  	s4 =	simm.s32 $_scs_section_size  }
0x9a: {  	s5 =	simm.s32 $_size__tile_overlayer_lowered;
	s6 =	simm.s32 $_tile_overlayer_lowered  }
0x9b: {  	s22 =	simm.s32 $0x1BFF;
	s21 =	sshll.u32 s6, $0x1;
	s3 =	sadd.s32 s4, s19  }
0x9c: {  	s7 =	simm.s32 $0x0;
	s20 =	sshll.u32 s5, $0x1;
	s5 =	sadd.s32 s21, s3  }
0x9d: {  	[timem:s7], [sflag:s22] =	dma.local [hbm:s5], s20  }
0x9e: {  	_ =	swait.ge [sflag:s22], s20  }
0x9f: {  	s4 =	ssub.s32 $0x0, s20;
	[sflag:s22] =	ssyncset.done $0x0  }
0xa0: {  	[sflag:s22] =	ssyncadd.s32 s4;
	_ =	sdelay $0x1  }
0xa1: {  	s23 =	simm.s32 $0x1B8B  }
0xa2: {  	_ =	swait.ge [sflag:s23], $0x1  }
0xa3: {  	[sflag:s23] =	ssyncset.done $0x0  }
0xa4: {  	s25 =	simm.s32 $0x1B8E;
	s24 =	sld [smem:$0x3FFE];
	[sflag:s23] =	ssyncadd.s32 $0xFFFFFFFF  }
0xa5: {  	s26 =	simm.s32 $execute0_lowered;
	[smem:$0x3FD2] =	sst s25  }
0xa6: {  	s5 =	sshll.u32 s26, $0x1;
	_ =	strace $0x80000046;
	[dreg:$0x1] =	wrdreg $0xFFFFFFFF  }
0xa7: {  	s28 =	simm.s32 $_size_execute0_lowered;
	s3 =	sadd.s32 s3, s5;
	[dreg:$0x0] =	wrdreg $0x0  }
0xa8: {  	s5 =	sshll.u32 s28, $0x1;
	[dreg:$0x2] =	wrdreg s3  }
0xa9: {  	[dreg:$0x3] =	wrdreg s5  }
0xaa: {  	[dreg:$0x4] =	wrdreg $0xC0  }
0xab: {  	_ =	task [dreg:s7], $0x5FFFF  }
0xac: {  	[dreg:$0x1] =	wrdreg $0xFFFFFFFF  }
0xad: {  	[dreg:$0x0] =	wrdreg $0x60  }
0xae: {  	[dreg:$0x2] =	wrdreg s24  }
0xaf: {  	[dreg:$0x3] =	wrdreg s2  }
0xb0: {  	[dreg:$0x4] =	wrdreg $0x9  }
0xb1: {  	_ =	task.clear_ibuf [dreg:s7], $0x5FFFF;
	_ =	strace $0x90000046  }
0xb2: {  	s29 =	simm.s32 $0x9;
	_ =	strace $0x80000048  }
0xb3: {  	_ =	swait.ge [sflag:s29], $0x1  }
0xb4: {  	[sflag:s29] =	ssyncadd.s32 $0xFFFFFFFF  }
0xb5: {  	_ =	strace $0x90000048  }
0xb6: {  	_ =	sfence  }
0xb7: {  	s30 =	sld [smem:$0x0];
	_ =	sdelay $0x2  }
0xb8: {  	s31 =	sshll.u32 s1, $0xD;
	s1 =	sshrl.u32 s1, $0x2  }
0xb9: {  	s3 =	sand.u32 $0x4000, s31;
	s1 =	sadd.s32 s1, s30  }
0xba: {  	s0 =	sor.u32 s3, s0;
	s1 =	sshll.u32 s1, $0x11  }
0xbb: {  	s0 =	sor.u32 s1, s0  }
0xbc: {  	s0 =	sadd.s32 $0x8F2B, s0  }
0xbd: {  	[sflag:s0] =	ssyncadd.remote.s32 $0x1  }
0xbe: {  	_ =	sfence.sel $0xFFFF  }
0xbf: {  	[dreg:$0x0] =	wrdreg $0xFFFFFFFF;
	(pc) =	sbr.abs _section_cstart, $3  }
0xc0: {  	[dreg:$0x1] =	wrdreg $0xFFFFFFFF  }
0xc1: {  	_ =	task.clear_ibuf [dreg:s7], $0x2FFFF;
	_ =	strace $0x9FFFFFFF  }
0xc2: {  	(tm) =	ssettm $0x7FFFFFFF  }
0xc3: {  	_ =	shalt  }
tec
execute0_lowered:
.L_overlay_start_1:
0x0: {  	(tag) =	ssettag $0x1  }
0x1: {  	s5 =	rddreg [dreg:$0x0];
	vm0 =	vmmov $0x1  }
0x2: {  	s1 =	rddreg [dreg:$0x1];
	vm3 =	vcmask $0xB10;
	vm4 =	vcmask $0xF14;
	vm5 =	vcmask $0x1318  }
0x3: {  	s0 =	rddreg [dreg:$0x2];
	s2 =	simm.s32 $0x0;
	s3 =	srdreg.scid;
	vm6 =	vcmask $0x171C;
	vm7 =	vcmask $0x1B20;
	vm8 =	vcmask $0x1F24  }
0x4: {  	vm9 =	vcmask $0x2328;
	vm10 =	vcmask $0x272C;
	v4 =	vlaneseq.u32;
	s10 =	simm.s32 $0xC80;
	s11 =	simm.s32 $0xC90;
	s12 =	simm.s32 $0xD90  }
0x5: {  	vm11 =	vcmask $0x2B30;
	vm12 =	vcmask $0x2F34;
	s13 =	simm.s32 $0x1;
	s14 =	simm.s32 $0x2;
	s15 =	simm.s32 $0xE90;
	v0 =	vmul.u32 $0xC80, v4  }
0x6: {  	vm13 =	vcmask $0x3338;
	vm14 =	vcmask $0x373C;
	s16 =	simm.s32 $0x3;
	s17 =	simm.s32 $0xF90;
	s18 =	simm.s32 $0x0;
	v2 =	vmul.u32 $0x10, v4  }
0x7: {  	vm15 =	vmmov $0x7fff;
	vm1 =	vmmov $0xffff;
	[smem:$0x7FF] =	sst s2;
	s7 =	sand.u32 $0x1, s3;
	s3 =	sadd.s32 $0x4A7600, s5;
	v3 =	vadd.s32 $0xC800, v0  }
0x8: {  	s4 =	sadd.s32 $0xC00, s5;
	s6 =	sadd.s32 $0x32C00, s5;
	s8 =	ssub.s32 $0x2, s7;
	v5 =	vor.u32 $0x1, v2;
	v6 =	vor.u32 $0x2, v2;
	v7 =	vor.u32 $0x3, v2  }
0x9: {  	s5 =	stileid.u32;
	_ =	strace $0x80000047;
	s9 =	sshrl.u32 s8, $0x1;
	v8 =	vor.u32 $0x4, v2;
	v9 =	vor.u32 $0x5, v2;
	v10 =	vor.u32 $0x6, v2  }
0xa: {  	s31 =	sshll.u32 s5, $0x6;
	s7 =	sshll.u32 s7, $0x5;
	v11 =	vor.u32 $0x7, v2;
	v12 =	vor.u32 $0x8, v2;
	v13 =	vor.u32 $0x9, v2;
	[tilespmem:$0x1FFE0] =	vst v0;
	s8 =	ssub.s32 s8, s9  }
0xb: {  	s7 =	sor.u32 s7, s31;
	v14 =	vor.u32 $0xA, v2;
	v15 =	vor.u32 $0xB, v2;
	v21 =	vor.u32 $0xC, v2;
	s9 =	simm.s32 $0x4;
	[tilespmem:$0x1FFF0] =	vst v3;
	s8 =	smax.u32 s8, $0x1  }
.LBB2_1:
0xc: {  	s19 =	simm.s32 $0x0  }
.LBB2_2:
0xd: {  	s20 =	sadd.s32 s7, s19  }
0xe: {  	s21 =	smul.u32 $0x190, s20;
	_ =	sdelay $0x1  }
0xf: {  	s22 =	simm.s32 $0x0;
	s21 =	sadd.s32 s3, s21  }
0x10: {  	[tilespmem:s22], [sflag:$0x4] =	stream.linear.gather [hbm4b:s21+s22], $0xC80, $0x38;
	[tilespmem:$0xFA0] =	vst v63  }
0x11: {  	_ =	swait.ge [sflag:s9], $0xC80  }
0x12: {  	s20 =	sshll.u32 s20, $0x1;
	[sflag:s9] =	ssyncset.done $0x0  }
0x13: {  	s31 =	sadd.s32 s1, s20;
	[sflag:s9] =	ssyncadd.s32 $0xFFFFF380  }
0x14: {  	[tilespmem:s10], [sflag:$0x4] =	stream.linear.gather [hbm4b:s31+s22], $0x10, $0x38;
	[tilespmem:$0xFA0] =	vst v63  }
0x15: {  	_ =	swait.ge [sflag:s9], $0x10  }
0x16: {  	[sflag:s9] =	ssyncset.done $0x0  }
0x17: {  	[sflag:s9] =	ssyncadd.s32 $0xFFFFFFF0  }
0x18: {  	v1 =	vld [tilespmem:s22+$0x0];
	_ =	sdelay $0x4  }
0x19: {  	(xrf0) =	vmin.scan.msk.f32 $0xffff, v1;
	_ =	sdelay $0x5  }
0x1a: {  	v19, _, _ =	vpop (xrf0)  }
0x1b: {  	(v2sf) =	vpush v19, $0xF;
	_ =	sdelay $0xe  }
0x1c: {  	s21 =	simm.f32 $3.000000010e+38;
	s23 =	spop (v2sf)  }
0x1d: {  	p0 =	slt.f32 s23, s21;
	_ =	sdelay $0x1  }
0x1e: {  	v19 =	vlaneseq.u32 @p0  }
0x1f: {  	v20 =	vor.u32 @p0 s22, v19  }
0x20: {  	(xrf1) =	vsort.ascd.msk.f32 @p0 $0xffff, v1, v20;
	_ =	sdelay $0xb  }
0x21: {  	v1 =	vmul.u32 @p0 $0xFFFFFFFF, v19;
	_ =	sdelay $0x1  }
0x22: {  	v1 =	vadd.s32 @p0 $0xF, v1;
	v19, v20, _ =	vpop @p0 (xrf1)  }
0x23: {  	v19 =	vperm.xlane @p0 v19, v1  }
0x24: {  	v18 =	vimm.f32 $3.000000010e+38;
	v1 =	vperm.xlane @p0 v20, v1  }
0x25: {  	v16 =	vimm.s32 $0x0;
	vm2 =	vle.f32 @p0 v18, v19  }
0x26: {  	v19 =	vsel @p0 vm2, v18, v19;
	v1 =	vsel @p0 vm2, v16, v1  }
0x27: {  	(xrf1) =	vsort.ascd.msk.f32 @p0 $0xffff, v19, v1;
	_ =	sdelay $0x9  }
0x28: {  	v17 =	vld [tilespmem:$0xC80];
	s23 =	simm.s32 $0x10;
	s22 =	simm.s32 $0x10  }
.LBB2_3:
0x29: {  	v1 =	vld [tilespmem:s22+$0x0];
	s24 =	smov.u32 s23;
	s23 =	sadd.s32 $0x10, s23  }
0x2a: {  	p1 =	seq.s32 s23, $0xC80;
	_ =	sdelay $0x1  }
0x2b: {  	v19, v20, _ =	vpop @p0 (xrf1)  }
0x2c: {  	v18 =	vpsel p0, v19, v18;
	v16 =	vpsel p0, v20, v16;
	(xrf0) =	vmax.scan.msk.f32 @p0 $0xffff, v19  }
0x2d: {  	(xrf0) =	vmin.scan.msk.f32 $0xffff, v1;
	_ =	sdelay $0x4  }
0x2e: {  	v19, _, _ =	vpop @p0 (xrf0)  }
0x2f: {  	v20, _, _ =	vpop (xrf0);
	(v2sf) =	vpush @p0 v19, $0xF  }
0x30: {  	(v2sf) =	vpush v20, $0xF;
	_ =	sdelay $0xd  }
0x31: {  	s25 =	spop @p0 (v2sf)  }
0x32: {  	s26 =	spop (v2sf);
	s21 =	smov.u32 @p0 s25  }
0x33: {  	p0 =	slt.f32 s26, s21;
	_ =	sdelay $0x1  }
0x34: {  	v19 =	vlaneseq.u32 @p0  }
0x35: {  	v20 =	vor.u32 @p0 s24, v19  }
0x36: {  	(xrf1) =	vsort.ascd.msk.f32 @p0 $0xffff, v1, v20;
	_ =	sdelay $0xb  }
0x37: {  	v1 =	vmul.u32 @p0 $0xFFFFFFFF, v19;
	_ =	sdelay $0x1  }
0x38: {  	v1 =	vadd.s32 @p0 $0xF, v1;
	v19, v20, _ =	vpop @p0 (xrf1)  }
0x39: {  	v19 =	vperm.xlane @p0 v19, v1  }
0x3a: {  	v1 =	vperm.xlane @p0 v20, v1  }
0x3b: {  	vm2 =	vle.f32 @p0 v18, v19  }
0x3c: {  	v19 =	vsel @p0 vm2, v18, v19;
	v1 =	vsel @p0 vm2, v16, v1  }
0x3d: {  	(xrf1) =	vsort.ascd.msk.f32 @p0 $0xffff, v19, v1;
	_ =	sdelay $0x5  }
.Ltmp0:
0x3e: {  	(pc) =	sbr.rel @!p1 .LBB2_3-.Ltmp0, $2  }
0x3f: {  	_ =	sdelay $0x2  }
0x40: {  	s22 =	sadd.s32 $0x10, s22  }
0x41: {  	_ =	sdelay $0x2  }
0x42: {  	v1, v18, _ =	vpop @p0 (xrf1)  }
0x43: {  	(xrf0) =	vmax.scan.msk.f32 @p0 $0xffff, v1;
	_ =	sdelay $0x5  }
0x44: {  	v1, _, _ =	vpop @p0 (xrf0)  }
0x45: {  	vm2 =	vcmask $0x308;
	(v2sf) =	vpush @p0 v1, $0xF;
	v1 =	vnsel vm0, $0x0, v17  }
0x46: {  	(xrf2) =	vadd.scan.msk.f32 $0xffff, v1;
	v1 =	vsel vm2, $0x0, v17;
	vm2 =	vcmask $0x70C  }
0x47: {  	(xrf2) =	vadd.scan.msk.f32 $0xffff, v1;
	v1 =	vsel vm2, $0x0, v17  }
0x48: {  	(xrf2) =	vadd.scan.msk.f32 $0xffff, v1;
	v1 =	vsel vm3, $0x0, v17  }
0x49: {  	(xrf2) =	vadd.scan.msk.f32 $0xffff, v1;
	v1 =	vsel vm4, $0x0, v17  }
0x4a: {  	(xrf2) =	vadd.scan.msk.f32 $0xffff, v1;
	v1 =	vsel vm5, $0x0, v17  }
0x4b: {  	(xrf2) =	vadd.scan.msk.f32 $0xffff, v1;
	v1 =	vsel vm6, $0x0, v17  }
0x4c: {  	(xrf2) =	vadd.scan.msk.f32 $0xffff, v1;
	v1 =	vsel vm7, $0x0, v17  }
0x4d: {  	(xrf2) =	vadd.scan.msk.f32 $0xffff, v1;
	v1 =	vsel vm8, $0x0, v17  }
0x4e: {  	(xrf2) =	vadd.scan.msk.f32 $0xffff, v1;
	v1 =	vsel vm9, $0x0, v17  }
0x4f: {  	(xrf2) =	vadd.scan.msk.f32 $0xffff, v1;
	v1 =	vsel vm10, $0x0, v17  }
0x50: {  	v16 =	vpsel p0, v18, v16;
	v18, _, _ =	vpop (xrf2);
	(xrf2) =	vadd.scan.msk.f32 $0xffff, v1;
	v1 =	vsel vm11, $0x0, v17  }
0x51: {  	v19, _, _ =	vpop (xrf2);
	(xrf2) =	vadd.scan.msk.f32 $0xffff, v1;
	v1 =	vsel vm12, $0x0, v17  }
0x52: {  	v22, _, _ =	vpop (xrf2);
	(xrf2) =	vadd.scan.msk.f32 $0xffff, v1;
	v1 =	vsel vm13, $0x0, v17  }
0x53: {  	v23, _, _ =	vpop (xrf2);
	(xrf2) =	vadd.scan.msk.f32 $0xffff, v1;
	v1 =	vsel vm14, $0x0, v17  }
0x54: {  	v24, _, _ =	vpop (xrf2);
	(xrf2) =	vadd.scan.msk.f32 $0xffff, v1;
	v1 =	vsel vm15, $0x0, v17  }
0x55: {  	v19 =	vbroadcast v19, $0xF  }
0x56: {  	v18 =	vbroadcast v18, $0xF;
	v17, _, _ =	vpop (xrf2);
	(xrf2) =	vadd.scan.msk.f32 $0xffff, v1  }
0x57: {  	[tilespmem:$0x1FF90] =	vst v19;
	v19 =	vbroadcast v22, $0xF;
	v1, _, _ =	vpop (xrf2)  }
0x58: {  	v27, _, _ =	vpop (xrf2)  }
0x59: {  	v28, _, _ =	vpop (xrf2)  }
0x5a: {  	[tilespmem:$0x1FF80] =	vst v18;
	v18, _, _ =	vpop (xrf2)  }
0x5b: {  	[tilespmem:$0x1FFA0] =	vst v19;
	v19, _, _ =	vpop (xrf2)  }
0x5c: {  	v30, _, _ =	vpop (xrf2)  }
0x5d: {  	v26 =	vbroadcast v1, $0xF;
	v1, _, _ =	vpop (xrf2)  }
0x5e: {  	v25 =	vbroadcast v17, $0xF;
	v17, _, _ =	vpop (xrf2)  }
0x5f: {  	v32, _, _ =	vpop (xrf2)  }
0x60: {  	v31 =	vbroadcast v1, $0xF;
	v1, _, _ =	vpop (xrf2)  }
0x61: {  	s21 =	spop @p0 (v2sf);
	v1 =	vbroadcast v1, $0xF  }
0x62: {  	s21 =	simm.s32 $0x0  }
0x63: {  	[tilespmem:$0x1FFD0] =	vst v1;
	v1 =	vmov s21  }
0x64: {  	vm2 =	veq.s32 v1, v4  }
0x65: {  	v1 =	vnsel vm2, $0x0, v16  }
0x66: {  	(xrf0) =	vadd.scan.msk.s32 $0xffff, v1;
	_ =	sdelay $0x5  }
0x67: {  	v1, _, _ =	vpop (xrf0)  }
0x68: {  	v1 =	vbroadcast v1, $0xF;
	_ =	sdelay $0x1  }
0x69: {  	v39 =	vadd.s32 v0, v1;
	_ =	sdelay $0x1  }
0x6a: {  	v29 =	vbroadcast v18, $0xF;
	v18 =	vbroadcast v19, $0xF;
	v33 =	vadd.s32 v3, v1;
	_ =	sdelay $0x1  }
0x6b: {  	[tilespmem:$0x1FFB0] =	vst v18;
	v17 =	vbroadcast v17, $0xF  }
0x6c: {  	[tilespmem:s11], [sflag:$0x1] =	stream.indirect_vreg.gather [hbm4b:s4+s2], $0x10, v39, vm1, $0xb8;
	[tilespmem:$0xFA0] =	vst v63  }
0x6d: {  	[tilespmem:$0x1FFC0] =	vst v17  }
0x6e: {  	[tilespmem:s12], [sflag:$0x2] =	stream.indirect_vreg.gather [hbm4b:s4+s2], $0x10, v33, vm1, $0xb8;
	[tilespmem:$0xFA0] =	vst v63  }
0x6f: {  	_ =	swait.ge [sflag:s13], $0x100  }
0x70: {  	[sflag:s13] =	ssyncset.done $0x0  }
0x71: {  	[sflag:s13] =	ssyncadd.s32 $0xFFFFFF00  }
0x72: {  	_ =	swait.ge [sflag:s14], $0x100  }
0x73: {  	[sflag:s14] =	ssyncset.done $0x0;
	v20 =	vld [tilespmem:$0x1FF80]  }
0x74: {  	v22 =	vld [tilespmem:$0x1FF90];
	[sflag:s14] =	ssyncadd.s32 $0xFFFFFF00  }
0x75: {  	v1 =	vld.idx.msk [tilespmem:v2+s11+$0x0], $0xffff  }
0x76: {  	v36 =	vld.idx.msk [tilespmem:v5+s11+$0x0], $0xffff  }
0x77: {  	v61 =	vld [tilespmem:$0x1FFA0]  }
0x78: {  	v37 =	vld.idx.msk [tilespmem:v6+s11+$0x0], $0xffff;
	_ =	sdelay $0x1  }
0x79: {  	v38 =	vld.idx.msk [tilespmem:v7+s11+$0x0], $0xffff  }
0x7a: {  	v1 =	vsub.f32 v1, v20;
	v36 =	vsub.f32 v36, v22  }
0x7b: {  	v23 =	vbroadcast v23, $0xF;
	v40 =	vld.idx.msk [tilespmem:v8+s11+$0x0], $0xffff  }
0x7c: {  	v37 =	vsub.f32 v37, v61;
	v1 =	vmul.f32 v1, v1;
	v36 =	vmul.f32 v36, v36  }
0x7d: {  	v24 =	vbroadcast v24, $0xF;
	v41 =	vld.idx.msk [tilespmem:v9+s11+$0x0], $0xffff  }
0x7e: {  	v38 =	vsub.f32 v38, v23;
	v37 =	vmul.f32 v37, v37;
	v1 =	vadd.f32 v36, v1  }
0x7f: {  	v56 =	vld.idx.msk [tilespmem:v10+s11+$0x0], $0xffff  }
0x80: {  	v40 =	vsub.f32 v40, v24;
	v38 =	vmul.f32 v38, v38;
	v1 =	vadd.f32 v37, v1  }
0x81: {  	v57 =	vld.idx.msk [tilespmem:v11+s11+$0x0], $0xffff  }
0x82: {  	v41 =	vsub.f32 v41, v25;
	v40 =	vmul.f32 v40, v40;
	v1 =	vadd.f32 v38, v1  }
0x83: {  	v27 =	vbroadcast v27, $0xF;
	v58 =	vld.idx.msk [tilespmem:v12+s11+$0x0], $0xffff  }
0x84: {  	v41 =	vmul.f32 v41, v41;
	v36 =	vsub.f32 v56, v26;
	v1 =	vadd.f32 v40, v1  }
0x85: {  	v28 =	vbroadcast v28, $0xF;
	v59 =	vld.idx.msk [tilespmem:v13+s11+$0x0], $0xffff  }
0x86: {  	v19 =	vld [tilespmem:$0x1FFB0];
	v37 =	vsub.f32 v57, v27;
	v42 =	vmul.f32 v36, v36;
	v1 =	vadd.f32 v41, v1  }
0x87: {  	v60 =	vld.idx.msk [tilespmem:v14+s11+$0x0], $0xffff;
	v36 =	vor.u32 $0xD, v2  }
0x88: {  	v43 =	vmul.f32 v37, v37;
	v38 =	vsub.f32 v58, v28;
	v1 =	vadd.f32 v42, v1  }
0x89: {  	v62 =	vld.idx.msk [tilespmem:v15+s11+$0x0], $0xffff;
	v37 =	vor.u32 $0xE, v2  }
0x8a: {  	v40 =	vsub.f32 v59, v29;
	v44 =	vmul.f32 v38, v38;
	v1 =	vadd.f32 v43, v1  }
0x8b: {  	v30 =	vbroadcast v30, $0xF;
	v63 =	vld.idx.msk [tilespmem:v21+s11+$0x0], $0xffff;
	v38 =	vor.u32 $0xF, v2  }
0x8c: {  	v18 =	vld [tilespmem:$0x1FFC0];
	v41 =	vsub.f32 v60, v19;
	v40 =	vmul.f32 v40, v40;
	v1 =	vadd.f32 v44, v1  }
0x8d: {  	v48 =	vld.idx.msk [tilespmem:v36+s11+$0x0], $0xffff  }
0x8e: {  	v42 =	vsub.f32 v62, v30;
	v41 =	vmul.f32 v41, v41;
	v1 =	vadd.f32 v40, v1  }
0x8f: {  	v49 =	vld.idx.msk [tilespmem:v37+s11+$0x0], $0xffff  }
0x90: {  	v17 =	vld [tilespmem:$0x1FFD0];
	v43 =	vsub.f32 v63, v31;
	v42 =	vmul.f32 v42, v42;
	v1 =	vadd.f32 v41, v1  }
0x91: {  	v32 =	vbroadcast v32, $0xF;
	v50 =	vld.idx.msk [tilespmem:v38+s11+$0x0], $0xffff  }
0x92: {  	v44 =	vsub.f32 v48, v18;
	v43 =	vmul.f32 v43, v43;
	v1 =	vadd.f32 v42, v1;
	_ =	sdelay $0x1  }
0x93: {  	v51 =	vmul.f32 v44, v44;
	v40 =	vsub.f32 v49, v32;
	v1 =	vadd.f32 v43, v1;
	_ =	sdelay $0x1  }
0x94: {  	v41 =	vsub.f32 v50, v17;
	v40 =	vmul.f32 v40, v40;
	v1 =	vadd.f32 v51, v1;
	_ =	sdelay $0x1  }
0x95: {  	v52 =	vmul.f32 v41, v41;
	v1 =	vadd.f32 v40, v1;
	_ =	sdelay $0x1  }
0x96: {  	v1 =	vadd.f32 v52, v1;
	_ =	sdelay $0x1  }
0x97: {  	v35 =	vimm.f32 $3.000000010e+38;
	(xrf0) =	vmin.scan.msk.f32 $0xffff, v1  }
0x98: {  	(xrf0) =	vmax.scan.msk.f32 $0xffff, v35;
	_ =	sdelay $0x4  }
0x99: {  	v53, _, _ =	vpop (xrf0)  }
0x9a: {  	v54, _, _ =	vpop (xrf0);
	(v2sf) =	vpush v53, $0xF  }
0x9b: {  	(v2sf) =	vpush v54, $0xF;
	_ =	sdelay $0x4  }
0x9c: {  	v55 =	vld.idx.msk [tilespmem:v2+s12+$0x0], $0xffff  }
0x9d: {  	v56 =	vld.idx.msk [tilespmem:v5+s12+$0x0], $0xffff;
	_ =	sdelay $0x1  }
0x9e: {  	v57 =	vld.idx.msk [tilespmem:v6+s12+$0x0], $0xffff  }
0x9f: {  	s31 =	simm.s32 $0x1  }
0xa0: {  	v58 =	vld.idx.msk [tilespmem:v7+s12+$0x0], $0xffff;
	v59 =	vmov s31  }
0xa1: {  	vm2 =	veq.s32 v59, v4;
	v41 =	vsub.f32 v56, v22;
	v40 =	vsub.f32 v55, v20  }
0xa2: {  	v45 =	vld.idx.msk [tilespmem:v8+s12+$0x0], $0xffff;
	v46 =	vnsel vm2, $0x0, v16  }
0xa3: {  	v42 =	vsub.f32 v57, v61;
	v41 =	vmul.f32 v41, v41;
	v40 =	vmul.f32 v40, v40  }
0xa4: {  	v60 =	vld.idx.msk [tilespmem:v9+s12+$0x0], $0xffff;
	(xrf0) =	vadd.scan.msk.s32 $0xffff, v46;
	s22 =	spop (v2sf)  }
0xa5: {  	v43 =	vsub.f32 v58, v23;
	v62 =	vmul.f32 v42, v42;
	v40 =	vadd.f32 v41, v40;
	s21 =	spop (v2sf)  }
0xa6: {  	p0 =	slt.f32 s22, s21  }
0xa7: {  	v45 =	vsub.f32 v45, v24;
	v63 =	vld.idx.msk [tilespmem:v10+s12+$0x0], $0xffff;
	v47 =	vmul.f32 v43, v43;
	v40 =	vadd.f32 v62, v40  }
0xa8: {  	(xrf1) =	vsort.ascd.msk.f32 @p0 $0xffff, v1, v39  }
0xa9: {  	v4 =	vld.idx.msk [tilespmem:v11+s12+$0x0], $0xffff;
	v48 =	vsub.f32 v60, v25;
	v50 =	vmul.f32 v45, v45;
	v49 =	vadd.f32 v47, v40  }
0xaa: {  	v55 =	vld.idx.msk [tilespmem:v13+s12+$0x0], $0xffff;
	v52, _, _ =	vpop (xrf0)  }
0xab: {  	v51 =	vmul.f32 v48, v48;
	v54 =	vbroadcast v52, $0xF;
	v1 =	vld.idx.msk [tilespmem:v12+s12+$0x0], $0xffff;
	v39 =	vadd.f32 v50, v49  }
0xac: {  	v59 =	vld.idx.msk [tilespmem:v36+s12+$0x0], $0xffff;
	v42 =	vsub.f32 v63, v26  }
0xad: {  	v57 =	vld.idx.msk [tilespmem:v14+s12+$0x0], $0xffff;
	v41 =	vadd.f32 v51, v39;
	v39 =	vadd.s32 v0, v54  }
0xae: {  	v56 =	vsub.f32 v4, v27;
	v42 =	vmul.f32 v42, v42;
	v48 =	vld.idx.msk [tilespmem:v21+s12+$0x0], $0xffff  }
0xaf: {  	v43 =	vsub.f32 v55, v29;
	v47 =	vld.idx.msk [tilespmem:v15+s12+$0x0], $0xffff;
	v40 =	vadd.s32 v3, v54  }
0xb0: {  	v58 =	vmul.f32 v56, v56;
	v53 =	vld.idx.msk [tilespmem:v37+s12+$0x0], $0xffff;
	v41 =	vadd.f32 v42, v41;
	v1 =	vsub.f32 v1, v28  }
0xb1: {  	v62 =	vmul.f32 v43, v43;
	v49 =	vld.idx.msk [tilespmem:v38+s12+$0x0], $0xffff;
	v43 =	vlaneseq.u32 @p0  }
0xb2: {  	v43 =	vmul.u32 @p0 $0xFFFFFFFF, v43;
	v41 =	vadd.f32 v58, v41;
	v1 =	vmul.f32 v1, v1;
	[tilespmem:s11], [sflag:$0x1] =	stream.indirect_vreg.gather [hbm4b:s4+s2], $0x10, v39, vm1, $0xb8;
	[tilespmem:$0xFA0] =	vst v63  }
0xb3: {  	v60 =	vsub.f32 v57, v19  }
0xb4: {  	v1 =	vadd.f32 v1, v41;
	[tilespmem:s12], [sflag:$0x2] =	stream.indirect_vreg.gather [hbm4b:s4+s2], $0x10, v40, vm1, $0xb8;
	[tilespmem:$0xFA0] =	vst v63  }
0xb5: {  	v4 =	vmul.f32 v60, v60;
	_ =	swait.ge [sflag:s13], $0x100  }
0xb6: {  	v63 =	vsub.f32 v47, v30;
	v42 =	vadd.s32 @p0 $0xF, v43;
	v1 =	vadd.f32 v62, v1;
	v43, v47, _ =	vpop @p0 (xrf1)  }
0xb7: {  	v34 =	vimm.s32 $0x0;
	v51 =	vsub.f32 v48, v31;
	v43 =	vperm.xlane @p0 v43, v42  }
0xb8: {  	v50 =	vmul.f32 v63, v63;
	[sflag:s13] =	ssyncset.done $0x0;
	v1 =	vadd.f32 v4, v1;
	v42 =	vperm.xlane @p0 v47, v42  }
0xb9: {  	v45 =	vsub.f32 v59, v18;
	v52 =	vmul.f32 v51, v51;
	[sflag:s13] =	ssyncadd.s32 $0xFFFFFF00;
	vm2 =	vle.f32 @p0 v35, v43  }
0xba: {  	v1 =	vadd.f32 v50, v1;
	_ =	swait.ge [sflag:s14], $0x100;
	v43 =	vsel @p0 vm2, v35, v43;
	v42 =	vsel @p0 vm2, v34, v42  }
0xbb: {  	(xrf1) =	vsort.ascd.msk.f32 @p0 $0xffff, v43, v42  }
0xbc: {  	v53 =	vsub.f32 v53, v32;
	v54 =	vmul.f32 v45, v45;
	v1 =	vadd.f32 v52, v1  }
0xbd: {  	[sflag:s14] =	ssyncset.done $0x0  }
0xbe: {  	v56 =	vmul.f32 v53, v53;
	v55 =	vsub.f32 v49, v17;
	[sflag:s14] =	ssyncadd.s32 $0xFFFFFF00;
	v1 =	vadd.f32 v54, v1  }
0xbf: {  	v45 =	vld.idx.msk [tilespmem:v2+s12+$0x0], $0xffff  }
0xc0: {  	v57 =	vmul.f32 v55, v55;
	v58 =	vld.idx.msk [tilespmem:v13+s11+$0x0], $0xffff;
	v1 =	vadd.f32 v56, v1  }
0xc1: {  	v59 =	vld.idx.msk [tilespmem:v11+s11+$0x0], $0xffff  }
0xc2: {  	v60 =	vld.idx.msk [tilespmem:v9+s11+$0x0], $0xffff;
	v41 =	vadd.f32 v57, v1  }
0xc3: {  	v62 =	vld.idx.msk [tilespmem:v8+s11+$0x0], $0xffff  }
0xc4: {  	v50 =	vld.idx.msk [tilespmem:v7+s11+$0x0], $0xffff;
	(xrf0) =	vmin.scan.msk.f32 $0xffff, v41  }
0xc5: {  	v51 =	vld.idx.msk [tilespmem:v6+s11+$0x0], $0xffff  }
0xc6: {  	v52 =	vld.idx.msk [tilespmem:v2+s11+$0x0], $0xffff  }
0xc7: {  	v54 =	vld.idx.msk [tilespmem:v5+s11+$0x0], $0xffff  }
0xc8: {  	v63 =	vld.idx.msk [tilespmem:v5+s12+$0x0], $0xffff  }
0xc9: {  	v42 =	vld.idx.msk [tilespmem:v21+s11+$0x0], $0xffff;
	v44, v43, _ =	vpop @p0 (xrf1)  }
0xca: {  	v56 =	vld.idx.msk [tilespmem:v6+s12+$0x0], $0xffff;
	v48 =	vsub.f32 v60, v25;
	v49 =	vsub.f32 v62, v24;
	v53, _, _ =	vpop (xrf0);
	(xrf0) =	vmax.scan.msk.f32 @p0 $0xffff, v44  }
0xcb: {  	v55 =	vld.idx.msk [tilespmem:v15+s11+$0x0], $0xffff;
	v50 =	vsub.f32 v50, v23;
	v47 =	vsub.f32 v59, v27  }
0xcc: {  	v1 =	vld.idx.msk [tilespmem:v14+s11+$0x0], $0xffff;
	v52 =	vsub.f32 v52, v20;
	v54 =	vsub.f32 v54, v22  }
0xcd: {  	v46 =	vsub.f32 v58, v29;
	v57 =	vld.idx.msk [tilespmem:v10+s11+$0x0], $0xffff;
	v51 =	vsub.f32 v51, v61  }
0xce: {  	v59 =	vld.idx.msk [tilespmem:v7+s12+$0x0], $0xffff;
	v45 =	vsub.f32 v45, v20;
	v52 =	vmul.f32 v52, v52;
	v54 =	vmul.f32 v54, v54  }
0xcf: {  	v58 =	vld.idx.msk [tilespmem:v36+s11+$0x0], $0xffff;
	v20 =	vsub.f32 v42, v31;
	v49 =	vmul.f32 v49, v49;
	v56 =	vsub.f32 v56, v61  }
0xd0: {  	v62 =	vld.idx.msk [tilespmem:v12+s11+$0x0], $0xffff;
	v51 =	vmul.f32 v51, v51;
	v52 =	vadd.f32 v54, v52;
	(v2sf) =	vpush v53, $0xF;
	v60, _, _ =	vpop @p0 (xrf0)  }
0xd1: {  	v45 =	vmul.f32 v45, v45;
	v54 =	vld.idx.msk [tilespmem:v38+s11+$0x0], $0xffff;
	v53 =	vsub.f32 v63, v22;
	(v2sf) =	vpush @p0 v60, $0xF  }
0xd2: {  	v50 =	vmul.f32 v50, v50;
	v61 =	vsub.f32 v55, v30;
	v51 =	vadd.f32 v51, v52;
	v60 =	vld.idx.msk [tilespmem:v8+s12+$0x0], $0xffff  }
0xd3: {  	v4 =	vsub.f32 v1, v19;
	v59 =	vsub.f32 v59, v23;
	v52 =	vld.idx.msk [tilespmem:v10+s12+$0x0], $0xffff;
	v53 =	vmul.f32 v53, v53  }
0xd4: {  	v48 =	vmul.f32 v48, v48;
	v19 =	vld.idx.msk [tilespmem:v37+s12+$0x0], $0xffff;
	v57 =	vsub.f32 v57, v26;
	v50 =	vadd.f32 v50, v51  }
0xd5: {  	v63 =	vsub.f32 v58, v18;
	v42 =	vadd.f32 v53, v45;
	v45 =	vmul.f32 v56, v56;
	v56 =	vld.idx.msk [tilespmem:v9+s12+$0x0], $0xffff  }
0xd6: {  	v51 =	vld.idx.msk [tilespmem:v12+s12+$0x0], $0xffff;
	v58 =	vmul.f32 v4, v4;
	v54 =	vsub.f32 v54, v17;
	v49 =	vadd.f32 v49, v50  }
0xd7: {  	v42 =	vadd.f32 v45, v42;
	v45 =	vld.idx.msk [tilespmem:v11+s12+$0x0], $0xffff;
	v55 =	vsub.f32 v60, v24;
	v60 =	vmul.f32 v59, v59  }
0xd8: {  	v18 =	vld.idx.msk [tilespmem:v15+s12+$0x0], $0xffff;
	v52 =	vsub.f32 v52, v26;
	v53 =	vmul.f32 v47, v47;
	v47 =	vsub.f32 v62, v28  }
0xd9: {  	v1 =	vadd.f32 v48, v49;
	v42 =	vadd.f32 v60, v42;
	v60 =	vld.idx.msk [tilespmem:v13+s12+$0x0], $0xffff;
	v62 =	vmul.f32 v55, v55  }
0xda: {  	v50 =	vsub.f32 v56, v25;
	v55 =	vmul.f32 v47, v47;
	v47 =	vmul.f32 v57, v57;
	v57 =	vld.idx.msk [tilespmem:v21+s12+$0x0], $0xffff  }
0xdb: {  	v63 =	vmul.f32 v63, v63;
	v49 =	vsub.f32 v51, v28;
	v59 =	vadd.f32 v62, v42;
	v62 =	vld.idx.msk [tilespmem:v37+s11+$0x0], $0xffff  }
0xdc: {  	v17 =	vmovc v7;
	v56 =	vmul.f32 v46, v46;
	v46 =	vmul.f32 v50, v50;
	v50 =	vsub.f32 v45, v27  }
0xdd: {  	v52 =	vmul.f32 v52, v52;
	v51 =	vld.idx.msk [tilespmem:v36+s12+$0x0], $0xffff;
	v42 =	vsub.f32 v19, v32;
	v1 =	vadd.f32 v47, v1  }
0xde: {  	v45 =	vld.idx.msk [tilespmem:v14+s12+$0x0], $0xffff;
	v47 =	vsub.f32 v18, v30;
	v4 =	vadd.f32 v46, v59;
	v59 =	vmul.f32 v61, v61  }
0xdf: {  	s24 =	spop (v2sf);
	v18 =	vmovc v5;
	v48 =	vsub.f32 v60, v29;
	v60 =	vmul.f32 v20, v20;
	v46 =	vsub.f32 v57, v31  }
0xe0: {  	s22 =	simm.s32 $0x2;
	v19 =	vmovc v6;
	v20 =	vmov v2;
	v52 =	vadd.f32 v52, v4;
	v61 =	vsub.f32 v62, v32;
	v62 =	vld.idx.msk [tilespmem:v38+s12+$0x0], $0xffff;
	s23 =	spop @p0 (v2sf)  }
.LBB2_5:
0xe1: {  	s21 =	smov.u32 @p0 s23  }
0xe2: {  	p2 =	slt.f32 s24, s21;
	_ =	sdelay $0x1  }
0xe3: {  	(xrf1) =	vsort.ascd.msk.f32 @p2 $0xffff, v41, v33;
	_ =	sdelay $0x3  }
0xe4: {  	v0 =	vld [tilespmem:$0x1FFC0]  }
0xe5: {  	v7 =	vld [tilespmem:$0x1FFD0];
	_ =	sdelay $0x4  }
0xe6: {  	v57 =	vsub.f32 v51, v0;
	v51 =	vsub.f32 v62, v7;
	v62 =	vlaneseq.u32 @p2;
	_ =	sdelay $0x1  }
0xe7: {  	v33 =	vmov v40;
	v40 =	vmul.u32 @p2 $0xFFFFFFFF, v62;
	_ =	sdelay $0x1  }
0xe8: {  	v40 =	vadd.s32 @p2 $0xF, v40;
	v41, v62, _ =	vpop @p2 (xrf1)  }
0xe9: {  	v41 =	vperm.xlane @p2 v41, v40  }
0xea: {  	v35 =	vpsel p0, v44, v35;
	v1 =	vadd.f32 v53, v1;
	v40 =	vperm.xlane @p2 v62, v40  }
0xeb: {  	v34 =	vpsel p0, v43, v34;
	vm2 =	vle.f32 @p2 v35, v41  }
0xec: {  	v1 =	vadd.f32 v55, v1;
	v41 =	vsel @p2 vm2, v35, v41;
	v40 =	vsel @p2 vm2, v34, v40  }
0xed: {  	(xrf1) =	vsort.ascd.msk.f32 @p2 $0xffff, v41, v40  }
0xee: {  	v1 =	vadd.f32 v56, v1;
	_ =	sdelay $0x1  }
0xef: {  	v1 =	vadd.f32 v58, v1;
	_ =	sdelay $0x1  }
0xf0: {  	v1 =	vadd.f32 v59, v1;
	_ =	sdelay $0x1  }
0xf1: {  	v1 =	vadd.f32 v60, v1;
	_ =	sdelay $0x1  }
0xf2: {  	v1 =	vadd.f32 v63, v1;
	v63 =	vmul.f32 v61, v61;
	_ =	sdelay $0x1  }
0xf3: {  	v2 =	vmul.f32 v54, v54;
	v1 =	vadd.f32 v63, v1;
	_ =	sdelay $0x1  }
0xf4: {  	v1 =	vadd.f32 v2, v1  }
0xf5: {  	v40, v41, _ =	vpop @p2 (xrf1)  }
0xf6: {  	(xrf0) =	vmin.scan.msk.f32 $0xffff, v1;
	v35 =	vpsel p2, v40, v35  }
0xf7: {  	(xrf0) =	vmax.scan.msk.f32 $0xffff, v35;
	_ =	sdelay $0x4  }
0xf8: {  	v4, _, _ =	vpop (xrf0)  }
0xf9: {  	(v2sf) =	vpush v4, $0xF;
	v5, _, _ =	vpop (xrf0)  }
0xfa: {  	(v2sf) =	vpush v5, $0xF;
	_ =	sdelay $0x6  }
0xfb: {  	s30 =	smov.u32 s22  }
0xfc: {  	v44 =	vmul.f32 v50, v50;
	v50 =	vmov s30;
	v2 =	vlaneseq.u32  }
0xfd: {  	vm2 =	veq.s32 v50, v2;
	v2 =	vld [tilespmem:$0x1FFB0];
	_ =	sdelay $0x1  }
0xfe: {  	v54 =	vnsel vm2, $0x0, v16  }
0xff: {  	v40 =	vadd.f32 v44, v52;
	v52 =	vmul.f32 v49, v49;
	(xrf0) =	vadd.scan.msk.s32 $0xffff, v54;
	_ =	sdelay $0x1  }
0x100: {  	v55 =	vmul.f32 v48, v48;
	v53 =	vsub.f32 v45, v2;
	v40 =	vadd.f32 v52, v40;
	s31 =	spop (v2sf)  }
0x101: {  	s21 =	spop (v2sf)  }
0x102: {  	v3 =	vld [tilespmem:$0x1FFE0];
	v34 =	vpsel p2, v41, v34;
	v41 =	vmul.f32 v53, v53;
	v40 =	vadd.f32 v55, v40;
	p0 =	slt.f32 s31, s21;
	_ =	sdelay $0x1  }
0x103: {  	v56 =	vmul.f32 v47, v47;
	v40 =	vadd.f32 v41, v40;
	(xrf1) =	vsort.ascd.msk.f32 @p0 $0xffff, v1, v39;
	v1, _, _ =	vpop (xrf0)  }
0x104: {  	v1 =	vbroadcast v1, $0xF  }
0x105: {  	v58 =	vmul.f32 v46, v46;
	v40 =	vadd.f32 v56, v40  }
0x106: {  	v39 =	vadd.s32 v3, v1;
	v3 =	vld [tilespmem:$0x1FFF0]  }
0x107: {  	v60 =	vmul.f32 v57, v57;
	v59 =	vadd.f32 v58, v40;
	_ =	sdelay $0x1  }
0x108: {  	v61 =	vmul.f32 v42, v42;
	v40 =	vadd.f32 v60, v59;
	_ =	sdelay $0x1  }
0x109: {  	v41 =	vadd.f32 v61, v40;
	v40 =	vadd.s32 v3, v1  }
0x10a: {  	v43 =	vlaneseq.u32 @p0  }
0x10b: {  	v43 =	vmul.u32 @p0 $0xFFFFFFFF, v43  }
0x10c: {  	[tilespmem:s11], [sflag:$0x1] =	stream.indirect_vreg.gather [hbm4b:s4+s2], $0x10, v39, vm1, $0xb8;
	[tilespmem:$0xFA0] =	vst v63  }
0x10d: {  	_ = 	snop  }
0x10e: {  	[tilespmem:s12], [sflag:$0x2] =	stream.indirect_vreg.gather [hbm4b:s4+s2], $0x10, v40, vm1, $0xb8;
	[tilespmem:$0xFA0] =	vst v63  }
0x10f: {  	_ =	swait.ge [sflag:s13], $0x100  }
0x110: {  	v1 =	vadd.s32 @p0 $0xF, v43;
	[sflag:s13] =	ssyncset.done $0x0;
	v42, v43, _ =	vpop @p0 (xrf1)  }
0x111: {  	[sflag:s13] =	ssyncadd.s32 $0xFFFFFF00;
	v42 =	vperm.xlane @p0 v42, v1  }
0x112: {  	v1 =	vperm.xlane @p0 v43, v1;
	_ =	swait.ge [sflag:s14], $0x100  }
0x113: {  	[sflag:s14] =	ssyncset.done $0x0;
	vm2 =	vle.f32 @p0 v35, v42  }
0x114: {  	[sflag:s14] =	ssyncadd.s32 $0xFFFFFF00;
	v42 =	vsel @p0 vm2, v35, v42;
	v1 =	vsel @p0 vm2, v34, v1  }
0x115: {  	v45 =	vld.idx.msk [tilespmem:v21+s11+$0x0], $0xffff;
	(xrf1) =	vsort.ascd.msk.f32 @p0 $0xffff, v42, v1  }
0x116: {  	v1 =	vld.idx.msk [tilespmem:v15+s11+$0x0], $0xffff  }
0x117: {  	v63 =	vld.idx.msk [tilespmem:v14+s11+$0x0], $0xffff  }
0x118: {  	v4 =	vld.idx.msk [tilespmem:v13+s11+$0x0], $0xffff  }
0x119: {  	v5 =	vld.idx.msk [tilespmem:v11+s11+$0x0], $0xffff  }
0x11a: {  	v62 =	vmul.f32 v51, v51;
	v57 =	vld.idx.msk [tilespmem:v9+s11+$0x0], $0xffff  }
0x11b: {  	v58 =	vld.idx.msk [tilespmem:v8+s11+$0x0], $0xffff  }
0x11c: {  	v41 =	vadd.f32 v62, v41;
	v60 =	vld.idx.msk [tilespmem:v17+s11+$0x0], $0xffff  }
0x11d: {  	v49 =	vld.idx.msk [tilespmem:v10+s11+$0x0], $0xffff  }
0x11e: {  	(xrf0) =	vmin.scan.msk.f32 $0xffff, v41;
	v51 =	vld.idx.msk [tilespmem:v18+s12+$0x0], $0xffff  }
0x11f: {  	v61 =	vld.idx.msk [tilespmem:v19+s11+$0x0], $0xffff  }
0x120: {  	v53 =	vld.idx.msk [tilespmem:v20+s11+$0x0], $0xffff  }
0x121: {  	v55 =	vld.idx.msk [tilespmem:v18+s11+$0x0], $0xffff  }
0x122: {  	v56 =	vsub.f32 v5, v27;
	v5 =	vld [tilespmem:$0x1FFA0]  }
0x123: {  	v46 =	vsub.f32 v63, v2;
	v2 =	vld [tilespmem:$0x1FF80];
	v44, v43, _ =	vpop @p0 (xrf1)  }
0x124: {  	v59, _, _ =	vpop (xrf0);
	v47 =	vsub.f32 v4, v29;
	v4 =	vld [tilespmem:$0x1FF90];
	(xrf0) =	vmax.scan.msk.f32 @p0 $0xffff, v44  }
0x125: {  	(v2sf) =	vpush v59, $0xF;
	v54 =	vsub.f32 v57, v25;
	v57 =	vld.idx.msk [tilespmem:v36+s11+$0x0], $0xffff  }
0x126: {  	v42 =	vld.idx.msk [tilespmem:v20+s12+$0x0], $0xffff;
	v48 =	vsub.f32 v58, v24;
	v50 =	vsub.f32 v60, v23  }
0x127: {  	v22 =	vmov v16;
	v16 =	vld.idx.msk [tilespmem:v10+s12+$0x0], $0xffff;
	v1 =	vsub.f32 v1, v30;
	v63 =	vsub.f32 v45, v31  }
0x128: {  	v60 =	vld.idx.msk [tilespmem:v12+s11+$0x0], $0xffff;
	v49 =	vsub.f32 v49, v26;
	v52 =	vsub.f32 v61, v5  }
0x129: {  	v48 =	vmul.f32 v48, v48;
	v53 =	vsub.f32 v53, v2;
	v61 =	vld.idx.msk [tilespmem:v19+s12+$0x0], $0xffff;
	v62 =	vsub.f32 v55, v4  }
0x12a: {  	v3 =	vmul.f32 v54, v54;
	v55 =	vld.idx.msk [tilespmem:v17+s12+$0x0], $0xffff;
	v57 =	vsub.f32 v57, v0;
	v51 =	vsub.f32 v51, v4;
	v0, _, _ =	vpop @p0 (xrf0)  }
0x12b: {  	v42 =	vsub.f32 v42, v2;
	v45 =	vmul.f32 v62, v62;
	v62 =	vld.idx.msk [tilespmem:v9+s12+$0x0], $0xffff;
	(v2sf) =	vpush @p0 v0, $0xF  }
0x12c: {  	v16 =	vsub.f32 v16, v26;
	v54 =	vld.idx.msk [tilespmem:v8+s12+$0x0], $0xffff;
	v50 =	vmul.f32 v50, v50;
	v53 =	vmul.f32 v53, v53  }
0x12d: {  	v58 =	vld.idx.msk [tilespmem:v38+s11+$0x0], $0xffff;
	v4 =	vsub.f32 v60, v28;
	v42 =	vmul.f32 v42, v42;
	v51 =	vmul.f32 v51, v51  }
0x12e: {  	v59 =	vld.idx.msk [tilespmem:v37+s12+$0x0], $0xffff;
	v0 =	vadd.f32 v45, v53;
	v53 =	vmul.f32 v56, v56;
	v56 =	vsub.f32 v61, v5  }
0x12f: {  	v2 =	vld.idx.msk [tilespmem:v11+s12+$0x0], $0xffff;
	v52 =	vmul.f32 v52, v52;
	v42 =	vadd.f32 v51, v42;
	v60 =	vsub.f32 v55, v23  }
0x130: {  	v55 =	vmul.f32 v4, v4;
	v4 =	vld.idx.msk [tilespmem:v13+s12+$0x0], $0xffff;
	v62 =	vsub.f32 v62, v25;
	v51 =	vmul.f32 v56, v56  }
0x131: {  	v60 =	vmul.f32 v60, v60;
	v61 =	vld.idx.msk [tilespmem:v12+s12+$0x0], $0xffff;
	v5 =	vsub.f32 v54, v24;
	v0 =	vadd.f32 v52, v0  }
0x132: {  	v54 =	vsub.f32 v58, v7;
	v56 =	vmul.f32 v47, v47;
	v47 =	vld.idx.msk [tilespmem:v15+s12+$0x0], $0xffff;
	v42 =	vadd.f32 v51, v42  }
0x133: {  	v6 =	vld.idx.msk [tilespmem:v21+s12+$0x0], $0xffff;
	v58 =	vmul.f32 v46, v46;
	v52 =	vmul.f32 v49, v49;
	v0 =	vadd.f32 v50, v0  }
0x134: {  	s22 =	sadd.s32 $0x1, s22;
	v46 =	vld.idx.msk [tilespmem:v37+s11+$0x0], $0xffff;
	v5 =	vmul.f32 v5, v5;
	v50 =	vsub.f32 v2, v27;
	v49 =	vadd.f32 v60, v42  }
0x135: {  	p1 =	sne.s32 s22, $0x10;
	v7 =	vmul.f32 v62, v62;
	v42 =	vsub.f32 v59, v32;
	v0 =	vadd.f32 v48, v0  }
.Ltmp1:
0x136: {  	v59 =	vmul.f32 v1, v1;
	v48 =	vsub.f32 v4, v29;
	v1 =	vadd.f32 v5, v49;
	(pc) =	sbr.rel @p1 .LBB2_5-.Ltmp1, $4  }
0x137: {  	v45 =	vld.idx.msk [tilespmem:v14+s12+$0x0], $0xffff;
	v47 =	vsub.f32 v47, v30;
	v49 =	vsub.f32 v61, v28  }
0x138: {  	v62 =	vld.idx.msk [tilespmem:v38+s12+$0x0], $0xffff;
	v0 =	vadd.f32 v3, v0;
	v3 =	vmul.f32 v16, v16;
	v2 =	vadd.f32 v7, v1  }
0x139: {  	s24 =	spop (v2sf);
	v51 =	vld.idx.msk [tilespmem:v36+s12+$0x0], $0xffff;
	v60 =	vmul.f32 v63, v63;
	v61 =	vsub.f32 v46, v32;
	v46 =	vsub.f32 v6, v31  }
0x13a: {  	v63 =	vmul.f32 v57, v57;
	v16 =	vmovc v22;
	v1 =	vadd.f32 v52, v0;
	v52 =	vadd.f32 v3, v2;
	s23 =	spop @p0 (v2sf)  }
0x13b: {  	s21 =	smov.u32 @p0 s23  }
0x13c: {  	p1 =	slt.f32 s24, s21;
	_ =	sdelay $0x1  }
0x13d: {  	(xrf1) =	vsort.ascd.msk.f32 @p1 $0xffff, v41, v33;
	_ =	sdelay $0xa  }
0x13e: {  	v0 =	vlaneseq.u32 @p1  }
0x13f: {  	v0 =	vmul.u32 @p1 $0xFFFFFFFF, v0;
	_ =	sdelay $0x1  }
0x140: {  	v0 =	vadd.s32 @p1 $0xF, v0;
	v2, v3, _ =	vpop @p1 (xrf1)  }
0x141: {  	v1 =	vadd.f32 v53, v1;
	v2 =	vperm.xlane @p1 v2, v0  }
0x142: {  	v4 =	vpsel p0, v44, v35;
	v0 =	vperm.xlane @p1 v3, v0  }
0x143: {  	v1 =	vadd.f32 v55, v1;
	v3 =	vpsel p0, v43, v34;
	vm2 =	vle.f32 @p1 v4, v2  }
0x144: {  	v2 =	vsel @p1 vm2, v4, v2;
	v0 =	vsel @p1 vm2, v3, v0  }
0x145: {  	(xrf1) =	vsort.ascd.msk.f32 @p1 $0xffff, v2, v0;
	v0 =	vadd.f32 v56, v1;
	_ =	sdelay $0x1  }
0x146: {  	v0 =	vadd.f32 v58, v0;
	_ =	sdelay $0x1  }
0x147: {  	v0 =	vadd.f32 v59, v0;
	_ =	sdelay $0x1  }
0x148: {  	v0 =	vadd.f32 v60, v0;
	_ =	sdelay $0x1  }
0x149: {  	v1 =	vmul.f32 v61, v61;
	v0 =	vadd.f32 v63, v0;
	_ =	sdelay $0x1  }
0x14a: {  	v0 =	vadd.f32 v1, v0;
	v1 =	vmul.f32 v54, v54;
	_ =	sdelay $0x2  }
0x14b: {  	v0 =	vadd.f32 v1, v0  }
0x14c: {  	v1, v2, _ =	vpop @p1 (xrf1)  }
0x14d: {  	(xrf0) =	vmin.scan.msk.f32 $0xffff, v0;
	v1 =	vpsel p1, v1, v4  }
0x14e: {  	(xrf0) =	vmax.scan.msk.f32 $0xffff, v1;
	_ =	sdelay $0x4  }
0x14f: {  	v4, _, _ =	vpop (xrf0)  }
0x150: {  	(v2sf) =	vpush v4, $0xF;
	v5, _, _ =	vpop (xrf0)  }
0x151: {  	(v2sf) =	vpush v5, $0xF;
	_ =	sdelay $0xd  }
0x152: {  	s26 =	spop (v2sf)  }
0x153: {  	s22 =	spop (v2sf)  }
0x154: {  	p0 =	slt.f32 s26, s22;
	_ =	sdelay $0x1  }
0x155: {  	(xrf1) =	vsort.ascd.msk.f32 @p0 $0xffff, v0, v39;
	_ =	sdelay $0x9  }
0x156: {  	v2 =	vpsel p1, v2, v3;
	v3 =	vld [tilespmem:$0x1FFB0]  }
0x157: {  	v0 =	vlaneseq.u32 @p0  }
0x158: {  	v4 =	vmul.f32 v50, v50;
	v0 =	vmul.u32 @p0 $0xFFFFFFFF, v0;
	_ =	sdelay $0x1  }
0x159: {  	v7 =	vmul.f32 v49, v49;
	v4 =	vadd.f32 v4, v52;
	v0 =	vadd.s32 @p0 $0xF, v0;
	v5, v6, _ =	vpop @p0 (xrf1)  }
0x15a: {  	v3 =	vsub.f32 v45, v3;
	v5 =	vperm.xlane @p0 v5, v0  }
0x15b: {  	v4 =	vadd.f32 v7, v4;
	v0 =	vperm.xlane @p0 v6, v0;
	v6 =	vmul.f32 v48, v48;
	_ =	sdelay $0x1  }
0x15c: {  	v3 =	vmul.f32 v3, v3;
	vm2 =	vle.f32 @p0 v1, v5;
	v4 =	vadd.f32 v6, v4  }
0x15d: {  	v5 =	vsel @p0 vm2, v1, v5;
	v0 =	vsel @p0 vm2, v2, v0  }
0x15e: {  	(xrf1) =	vsort.ascd.msk.f32 @p0 $0xffff, v5, v0;
	v0 =	vadd.f32 v3, v4;
	v4 =	vld [tilespmem:$0x1FFC0];
	_ =	sdelay $0x2  }
0x15f: {  	v3 =	vmul.f32 v47, v47;
	_ =	sdelay $0x1  }
0x160: {  	v0 =	vadd.f32 v3, v0;
	v3 =	vmul.f32 v46, v46;
	v4 =	vsub.f32 v51, v4;
	_ =	sdelay $0x1  }
0x161: {  	v0 =	vadd.f32 v3, v0;
	v3 =	vmul.f32 v4, v4;
	v4 =	vld [tilespmem:$0x1FFD0];
	_ =	sdelay $0x4  }
0x162: {  	v0 =	vadd.f32 v3, v0;
	v3 =	vmul.f32 v42, v42;
	v4 =	vsub.f32 v62, v4;
	_ =	sdelay $0x1  }
0x163: {  	v0 =	vadd.f32 v3, v0;
	v3 =	vmul.f32 v4, v4;
	_ =	sdelay $0x1  }
0x164: {  	v0 =	vadd.f32 v3, v0;
	_ =	sdelay $0x1  }
0x165: {  	(xrf0) =	vmin.scan.msk.f32 $0xffff, v0;
	v3, v4, _ =	vpop @p0 (xrf1)  }
0x166: {  	(xrf0) =	vmax.scan.msk.f32 @p0 $0xffff, v3;
	_ =	sdelay $0x4  }
0x167: {  	v5, _, _ =	vpop (xrf0)  }
0x168: {  	(v2sf) =	vpush v5, $0xF;
	v5, _, _ =	vpop @p0 (xrf0)  }
0x169: {  	(v2sf) =	vpush @p0 v5, $0xF;
	_ =	sdelay $0xd  }
0x16a: {  	s28 =	spop (v2sf)  }
0x16b: {  	s23 =	spop @p0 (v2sf)  }
0x16c: {  	s22 =	smov.u32 @p0 s23  }
0x16d: {  	p1 =	slt.f32 s28, s22;
	_ =	sdelay $0x1  }
0x16e: {  	(xrf1) =	vsort.ascd.msk.f32 @p1 $0xffff, v0, v40;
	_ =	sdelay $0xa  }
0x16f: {  	v0 =	vlaneseq.u32 @p1  }
0x170: {  	v0 =	vmul.u32 @p1 $0xFFFFFFFF, v0;
	_ =	sdelay $0x1  }
0x171: {  	v0 =	vadd.s32 @p1 $0xF, v0;
	v5, v6, _ =	vpop @p1 (xrf1)  }
0x172: {  	v5 =	vperm.xlane @p1 v5, v0  }
0x173: {  	v1 =	vpsel p0, v3, v1;
	v0 =	vperm.xlane @p1 v6, v0  }
0x174: {  	v2 =	vpsel p0, v4, v2;
	vm2 =	vle.f32 @p1 v1, v5  }
0x175: {  	v3 =	vsel @p1 vm2, v1, v5;
	v0 =	vsel @p1 vm2, v2, v0  }
0x176: {  	(xrf1) =	vsort.ascd.msk.f32 @p1 $0xffff, v3, v0;
	_ =	sdelay $0xd  }
0x177: {  	v0, v3, _ =	vpop @p1 (xrf1)  }
0x178: {  	v2 =	vpsel p1, v3, v2;
	_ =	sdelay $0x3  }
0x179: {  	s29 =	simm.s32 $0x0;
	v0 =	vpsel p1, v0, v1  }
0x17a: {  	v22 =	vmov v10;
	v10 =	vld [tilespmem:$0x1FFF0];
	v1 =	vshrl.u32 v0, $0x1;
	[tilespmem:s15], [sflag:$0x3] =	stream.indirect_vreg.gather [hbm4b:s4+s29], $0x10, v2, vm1, $0xb8  }
0x17b: {  	v26 =	vmov v15;
	v15 =	vmov v8;
	v8 =	vld [tilespmem:$0x1FFE0];
	v1 =	vadd.s32 $0x1FBD1DF5, v1;
	_ =	swait.ge [sflag:s16], $0x100  }
0x17c: {  	(erf) = vrcp.f32 v1;
	_ =	sdelay $0x8  }
0x17d: {  	v2 =	vpop (erf)  }
0x17e: {  	v2 =	vmul.f32 v2, v0;
	_ =	sdelay $0x1  }
0x17f: {  	v1 =	vadd.f32 v1, v2;
	_ =	sdelay $0x1  }
0x180: {  	v1 =	vmul.f32 $5.000000000e-01, v1;
	_ =	sdelay $0x1  }
0x181: {  	(erf) = vrcp.f32 v1;
	_ =	sdelay $0x8  }
0x182: {  	v2 =	vpop (erf)  }
0x183: {  	v2 =	vmul.f32 v2, v0;
	_ =	sdelay $0x1  }
0x184: {  	v1 =	vadd.f32 v2, v1;
	_ =	sdelay $0x1  }
0x185: {  	v1 =	vmul.f32 $5.000000000e-01, v1;
	_ =	sdelay $0x1  }
0x186: {  	(erf) = vrcp.f32 v1;
	_ =	sdelay $0x8  }
0x187: {  	v2 =	vpop (erf)  }
0x188: {  	v0 =	vmul.f32 v2, v0;
	_ =	sdelay $0x1  }
0x189: {  	v0 =	vadd.f32 v0, v1;
	_ =	sdelay $0x1  }
0x18a: {  	v0 =	vmul.f32 $5.000000000e-01, v0;
	_ =	sdelay $0x1  }
0x18b: {  	v0 =	vadd.f32 $1.000000010e-01, v0;
	_ =	sdelay $0x1  }
0x18c: {  	(erf) = vrcp.f32 v0;
	_ =	sdelay $0x7  }
0x18d: {  	v6 =	vlaneseq.u32;
	v0 =	vmov s29  }
0x18e: {  	vm2 =	veq.s32 v0, v6;
	v1 =	vpop (erf)  }
0x18f: {  	v2 =	vnsel vm2, $0x0, v1  }
0x190: {  	(xrf2) =	vadd.scan.msk.f32 $0xffff, v2;
	_ =	sdelay $0x5  }
0x191: {  	s30 =	simm.s32 $0x1;
	v0 =	vshll.u32 v0, $0x4  }
0x192: {  	v0 =	vor.u32 v6, v0;
	v2 =	vmov s30  }
0x193: {  	vm2 =	veq.s32 v2, v6  }
0x194: {  	v5 =	vnsel vm2, $0x0, v1  }
0x195: {  	s31 =	simm.s32 $0x2;
	[sflag:s16] =	ssyncset.done $0x0;
	v4, _, _ =	vpop (xrf2);
	(xrf2) =	vadd.scan.msk.f32 $0xffff, v5  }
0x196: {  	[sflag:s16] =	ssyncadd.s32 $0xFFFFFF00;
	v3 =	vshll.u32 v2, $0x4;
	v2 =	vmov s31  }
0x197: {  	v0 =	vld.idx.msk [tilespmem:v0+s15+$0x0], $0xffff;
	vm2 =	veq.s32 v2, v6  }
0x198: {  	v3 =	vor.u32 v6, v3;
	v5 =	vnsel vm2, $0x0, v1  }
0x199: {  	(xrf2) =	vadd.scan.msk.f32 $0xffff, v5  }
0x19a: {  	v4 =	vbroadcast v4, $0xF  }
0x19b: {  	v25 =	vmov v13  }
0x19c: {  	v24 =	vmovc v12;
	v23 =	vmovc v11;
	v12 =	vmov v19;
	v2 =	vshll.u32 v2, $0x4;
	v19 =	vmul.f32 v0, v4  }
0x19d: {  	v13 =	vmovc v17;
	v11 =	vmovc v18;
	v16 =	vimm.f32 $0.0e+00;
	s21 =	simm.s32 $0x3;
	v18 =	vor.u32 v6, v2;
	v17 =	vld.idx.msk [tilespmem:v3+s15+$0x0], $0xffff;
	v4 =	vlaneseq.u32  }
.LBB2_7:
0x19e: {  	v0 =	vmov s21;
	p0 =	sne.s32 s21, $0xF;
	s21 =	sadd.s32 $0x1, s21;
	v16 =	vadd.f32 v19, v16  }
.Ltmp2:
0x19f: {  	vm2 =	veq.s32 v0, v4;
	v2, _, _ =	vpop (xrf2);
	(pc) =	sbr.rel @p0 .LBB2_7-.Ltmp2, $4  }
0x1a0: {  	v3 =	vnsel vm2, $0x0, v1;
	v2 =	vbroadcast v2, $0xF  }
0x1a1: {  	(xrf2) =	vadd.scan.msk.f32 $0xffff, v3  }
0x1a2: {  	v0 =	vshll.u32 v0, $0x4;
	v19 =	vmul.f32 v17, v2;
	v17 =	vld.idx.msk [tilespmem:v18+s15+$0x0], $0xffff  }
0x1a3: {  	v18 =	vor.u32 v4, v0  }
0x1a4: {  	(xrf2) =	vadd.scan.msk.f32 $0xffff, v1;
	_ =	sdelay $0x7  }
0x1a5: {  	v0, _, _ =	vpop (xrf2)  }
0x1a6: {  	v1, _, _ =	vpop (xrf2)  }
0x1a7: {  	v2, _, _ =	vpop (xrf2)  }
0x1a8: {  	v2 =	vbroadcast v2, $0xF;
	_ =	sdelay $0x1  }
0x1a9: {  	(erf) = vrcp.f32 v2;
	v2 =	vld.idx.msk [tilespmem:v18+s15+$0x0], $0xffff;
	_ =	sdelay $0x1  }
0x1aa: {  	v0 =	vbroadcast v0, $0xF  }
0x1ab: {  	v1 =	vbroadcast v1, $0xF  }
0x1ac: {  	v3 =	vadd.f32 v19, v16;
	v0 =	vmul.f32 v17, v0  }
0x1ad: {  	v1 =	vmul.f32 v2, v1  }
0x1ae: {  	v0 =	vadd.f32 v0, v3;
	_ =	sdelay $0x1  }
0x1af: {  	v0 =	vadd.f32 v1, v0  }
0x1b0: {  	v1 =	vpop (erf)  }
0x1b1: {  	s19 =	sadd.s32 $0x1, s19;
	v0 =	vmul.f32 v0, v1  }
0x1b2: {  	p0 =	sne.s32 s19, $0x20  }
.Ltmp3:
0x1b3: {  	s20 =	sadd.s32 s6, s20;
	[tilespmem:$0xF90] =	vst v0;
	(pc) =	sbr.rel @p0 .LBB2_2-.Ltmp3, $4  }
0x1b4: {  	[hbm4b:s20+s2] =	stream.linear.scatter [tilespmem:s17], [sflag:$0x4], $0x10, $0x38;
	[tilespmem:$0xFA0] =	vst v63  }
0x1b5: {  	v5 =	vmov v11;
	v6 =	vmov v12;
	_ =	swait.ge [sflag:s9], $0x10  }
0x1b6: {  	v7 =	vmovc v13;
	v11 =	vmovc v23;
	v12 =	vmov v24;
	v13 =	vmov v25;
	v3 =	vmov v10;
	[sflag:s9] =	ssyncset.done $0x0  }
0x1b7: {  	v10 =	vmovc v22;
	v2 =	vmovc v20;
	v0 =	vmov v8;
	v8 =	vmov v15;
	v15 =	vmov v26;
	[sflag:s9] =	ssyncadd.s32 $0xFFFFFFF0  }
0x1b8: {  	s18 =	sadd.s32 $0x1, s18  }
0x1b9: {  	p0 =	sne.s32 s18, s8  }
.Ltmp4:
0x1ba: {  	_ = 	snop;
	(pc) =	sbr.rel @p0 .LBB2_1-.Ltmp4, $1  }
0x1bb: {  	_ =	sdelay $0x3  }
0x1bc: {  	_ =	sfence.sel $0x180000  }
0x1bd: {  	[bflag:$0x0] =	sbarrier.arrive $0xFFFF  }
0x1be: {  	p0 =	sne.s32 s5, $0x0;
	_ =	strace $0x90000047  }
0x1bf: {  	s0 =	sadd.s32 @!p0 $0x100000, s0;
	[bflag:$0x2] =	sbarrier.arrive $0xFFFF  }
0x1c0: {  	[sflag:s0] =	ssyncadd.tile.s32 @!p0 $0x1;
	_ =	shalt  }
.Lfunc_end2:
_tile_overlayer_lowered:
.L_overlay_start_2:
0x1c1: {  	(tag) =	ssettag $0x2  }
0x1c2: {  	s0 =	rddreg [dreg:$0x0];
	s2 =	stileid.u32  }
0x1c3: {  	s1 =	rddreg [dreg:$0x1];
	p0 =	sne.s32 s2, $0x0  }
0x1c4: {  	s3 =	rddreg [dreg:$0x2];
	[bflag:$0x3] =	sbarrier.arrive $0xFFFF;
	s2 =	simm.s32 @!p0 $0x1C04  }
0x1c5: {  	[timem:s3], [sflag:s2] =	dma.local @!p0 [hbm:s0], s1  }
0x1c6: {  	s0 =	simm.s32 @!p0 $0x4  }
0x1c7: {  	_ =	swait.ge @!p0 [sflag:s0], s1  }
0x1c8: {  	s1 =	ssub.s32 @!p0 $0x0, s1;
	[sflag:s0] =	ssyncset.done @!p0 $0x0  }
0x1c9: {  	[sflag:s0] =	ssyncadd.s32 @!p0 s1  }
0x1ca: {  	[bflag:$0x3] =	sbarrier.arrive $0xFFFF  }
0x1cb: {  	_ =	shalt  }

</sc_bundles>
